<compile_context>
chip_gen: v7x
topology: tpu7x:2x2x1
jax: 0.10.2.dev20260603
libtpu: 0.0.44.dev20260713+nightly
codegen_flags: <defaults>
</compile_context>

<pallas_src>
import functools

import jax
import jax.numpy as jnp
from jax import lax
from jax.experimental import pallas as pl
from jax.experimental.pallas import tpu as pltpu
from jax.experimental.pallas import tpu_sc as plsc

N_UNITS = 100000
N_BATCH = 1024

NC = 2
NS = 16
NW = NC * NS

CH = 40
NCHUNK = 78
BIG = 20
TAIL = 8
PW_MAX = NCHUNK * CH + TAIL

_mesh = plsc.VectorSubcoreMesh(
    core_axis_name="c", subcore_axis_name="s", num_cores=NC, num_subcores=NS
)


@functools.partial(
    pl.kernel,
    out_type=jax.ShapeDtypeStruct((N_UNITS, N_BATCH), jnp.float32),
    mesh=_mesh,
    scratch_types=[
        pltpu.VMEM((PW_MAX,), jnp.int32),
        pltpu.VMEM((CH, N_BATCH), jnp.float32),
        pltpu.VMEM((CH, N_BATCH), jnp.float32),
        pltpu.VMEM((CH, N_BATCH), jnp.float32),
        pltpu.SemaphoreType.DMA,
        pltpu.SemaphoreType.DMA,
        pltpu.SemaphoreType.DMA,
        pltpu.SemaphoreType.DMA,
        pltpu.SemaphoreType.DMA,
        pltpu.SemaphoreType.DMA,
    ],
)
def _sc_row_gather(tab_hbm, idx_hbm, out_hbm, idx_v, buf0, buf1, buf2,
                   gs0, gs1, gs2, ws0, ws1, ws2):
    wid = lax.axis_index("s") * NC + lax.axis_index("c")
    base = pl.multiple_of(wid * (NCHUNK * CH) + jnp.minimum(wid, BIG) * TAIL, 8)
    big = wid < BIG

    pltpu.sync_copy(idx_hbm.at[pl.ds(base, NCHUNK * CH)],
                    idx_v.at[pl.ds(0, NCHUNK * CH)])

    bufs = (buf0, buf1, buf2)
    gsems = (gs0, gs1, gs2)
    wsems = (ws0, ws1, ws2)

    def start_gather(c, b):
        off = pl.multiple_of(c * CH, 8)
        pltpu.async_copy(tab_hbm.at[idx_v.at[pl.ds(off, CH)]], bufs[b], gsems[b])

    def wait_gather(b):
        pltpu.make_async_copy(
            tab_hbm.at[idx_v.at[pl.ds(0, CH)]], bufs[b], gsems[b]
        ).wait()

    for b in range(3):
        start_gather(b, b)

    def step(g, carry):
        for b in range(3):
            c = g + b
            wait_gather(b)
            off = pl.multiple_of(c * CH, 8)
            pltpu.async_copy(bufs[b], out_hbm.at[pl.ds(base + off, CH)], wsems[b])
            pltpu.make_async_copy(
                bufs[b], out_hbm.at[pl.ds(base, CH)], wsems[b]
            ).wait()

            @pl.when(c + 3 < NCHUNK)
            def _():
                start_gather(c + 3, b)

        return carry

    lax.fori_loop(0, NCHUNK // 3, lambda i, car: step(i * 3, car), 0)

    @pl.when(big)
    def _():
        toff = pl.multiple_of(NCHUNK * CH, 8)
        pltpu.sync_copy(idx_hbm.at[pl.ds(base + toff, TAIL)],
                        idx_v.at[pl.ds(toff, TAIL)])
        tbuf = buf0.at[pl.ds(0, TAIL)]
        pltpu.async_copy(tab_hbm.at[idx_v.at[pl.ds(toff, TAIL)]], tbuf, gs0)
        pltpu.make_async_copy(
            tab_hbm.at[idx_v.at[pl.ds(toff, TAIL)]], tbuf, gs0
        ).wait()
        pltpu.async_copy(tbuf, out_hbm.at[pl.ds(base + toff, TAIL)], ws0)
        pltpu.make_async_copy(tbuf, out_hbm.at[pl.ds(base, TAIL)], ws0).wait()


def kernel(z, P):
    zT = z.T
    outT = _sc_row_gather(zT, P.astype(jnp.int32))
    return outT.T

# --- scband reference (transcript-rebuilt; emitter-appended) ---
"""Pipeline reference for scband-permutation-matrix-65893388255683 (READ-ONLY COPY).

The authoritative reference and input builder live on the scoring server;
editing this copy changes nothing except your own understanding.
"""

import jax, jax.numpy as jnp
import numpy as np

NUM_UNITS = 100000
BATCH = 1024

def setup_inputs(seed: int = 0) -> dict:
    key = jax.random.key(seed)
    k1, k2 = jax.random.split(key)
    z = jax.random.normal(k1, (BATCH, NUM_UNITS), dtype=jnp.float32)
    # Buffer P: a fixed random permutation of num_units (registered buffer in torch)
    P = jax.random.permutation(k2, NUM_UNITS).astype(jnp.int32)
    return {"z": z, "P": P}

def reference(z, P):
    # Faithful translation of PermutationMatrix.mul: z[:, P]
    return jnp.take(z, P, axis=1)

if __name__ == "__main__":
    import jax
    _d = setup_inputs()
    print(jax.jit(kernel)(*tuple(_d.values())))

</pallas_src>

<mosaic_0001>
#map = affine_map<(d0, d1) -> (0, 0)>
#map1 = affine_map<(d0, d1) -> (0)>
module attributes {stable_mosaic.version = 14 : i64} {
  func.func @_sc_row_gather(%arg0: i32, %arg1: i32, %arg2: memref<100000x1024xf32, #tpu.memory_space<hbm>>, %arg3: memref<100000xi32, #tpu.memory_space<hbm>>, %arg4: memref<100000x1024xf32, #tpu.memory_space<hbm>>, %arg5: memref<3128xi32, #tpu.memory_space<vmem>>, %arg6: memref<40x1024xf32, #tpu.memory_space<vmem>>, %arg7: memref<40x1024xf32, #tpu.memory_space<vmem>>, %arg8: memref<40x1024xf32, #tpu.memory_space<vmem>>, %arg9: memref<!tpu.dma_semaphore, #tpu.memory_space<semaphore_mem>>, %arg10: memref<!tpu.dma_semaphore, #tpu.memory_space<semaphore_mem>>, %arg11: memref<!tpu.dma_semaphore, #tpu.memory_space<semaphore_mem>>, %arg12: memref<!tpu.dma_semaphore, #tpu.memory_space<semaphore_mem>>, %arg13: memref<!tpu.dma_semaphore, #tpu.memory_space<semaphore_mem>>, %arg14: memref<!tpu.dma_semaphore, #tpu.memory_space<semaphore_mem>>) attributes {dimension_semantics = [#tpu.dimension_semantics<core_parallel>, #tpu.dimension_semantics<subcore_parallel>], iteration_bounds = array<i64: 2, 16>, scalar_prefetch = 0 : i64, scratch_operands = 10 : i64, tpu.core_type = #tpu.core_type<sc_vector_subcore>, window_params = [{transform_indices = #map}, {transform_indices = #map1}, {transform_indices = #map}]} {
    %mul3A = arith.constant 2 : i32
    %mul3A_0 = arith.muli %arg1, %mul3A : i32
    %add3A = arith.addi %mul3A_0, %arg0 : i32
    %mul3A_1 = arith.constant 3120 : i32
    %mul3A_2 = arith.muli %add3A, %mul3A_1 : i32
    %min3A = arith.constant 20 : i32
    %min3A_3 = arith.minsi %add3A, %min3A : i32
    %mul3A_4 = arith.constant 8 : i32
    %mul3A_5 = arith.muli %min3A_3, %mul3A_4 : i32
    %add3A_6 = arith.addi %mul3A_2, %mul3A_5 : i32
    %multiple_of3A = tpu.assume_multiple %add3A_6, 8 : i32
    %lt3A = arith.constant 20 : i32
    %lt3A_7 = arith.cmpi slt, %add3A, %lt3A : i32
    "tpu.region"() ({
      %run_scoped3A = tpu.sem_alloc : memref<!tpu.dma_semaphore, #tpu.memory_space<semaphore_mem>>
      %dma_start3A_31 = arith.constant 0 : i32
      %dma_start3A_32 = tpu.memref_slice %arg5[%dma_start3A_31] : memref<3128xi32, #tpu.memory_space<vmem>> -> memref<3120xi32, #tpu.memory_space<vmem>>
      %dma_start3A_33 = tpu.memref_slice %arg3[%multiple_of3A] : memref<100000xi32, #tpu.memory_space<hbm>> -> memref<3120xi32, #tpu.memory_space<hbm>>
      %dma_start3A_34 = arith.constant 0 : i32
      %dma_start3A_35 = tpu.memref_slice %arg5[%dma_start3A_34] : memref<3128xi32, #tpu.memory_space<vmem>> -> memref<3120xi32, #tpu.memory_space<vmem>>
      %dma_start3A_36 = tpu.memref_slice %arg3[%multiple_of3A] : memref<100000xi32, #tpu.memory_space<hbm>> -> memref<3120xi32, #tpu.memory_space<hbm>>
      tpu.enqueue_dma source(%dma_start3A_36 : memref<3120xi32, #tpu.memory_space<hbm>>) target(%dma_start3A_35 : memref<3120xi32, #tpu.memory_space<vmem>>) target_semaphore(%run_scoped3A : memref<!tpu.dma_semaphore, #tpu.memory_space<semaphore_mem>>)
      %dma_wait3A = arith.constant 0 : i32
      %dma_wait3A_37 = tpu.memref_slice %arg5[%dma_wait3A] : memref<3128xi32, #tpu.memory_space<vmem>> -> memref<3120xi32, #tpu.memory_space<vmem>>
      %dma_wait3A_38 = tpu.memref_slice %arg3[%multiple_of3A] : memref<100000xi32, #tpu.memory_space<hbm>> -> memref<3120xi32, #tpu.memory_space<hbm>>
      %dma_wait3A_39 = arith.constant 0 : i32
      %dma_wait3A_40 = tpu.memref_slice %arg5[%dma_wait3A_39] : memref<3128xi32, #tpu.memory_space<vmem>> -> memref<3120xi32, #tpu.memory_space<vmem>>
      %dma_wait3A_41 = tpu.memref_slice %arg3[%multiple_of3A] : memref<100000xi32, #tpu.memory_space<hbm>> -> memref<3120xi32, #tpu.memory_space<hbm>>
      tpu.wait_dma2 semaphore(%run_scoped3A : memref<!tpu.dma_semaphore, #tpu.memory_space<semaphore_mem>>) src(%dma_wait3A_41 : memref<3120xi32, #tpu.memory_space<hbm>>) dst(%dma_wait3A_40 : memref<3120xi32, #tpu.memory_space<vmem>>)
      tpu.yield
    }) : () -> ()
    %multiple_of3A_8 = arith.constant 0 : i32
    %multiple_of3A_9 = tpu.assume_multiple %multiple_of3A_8, 8 : i32
    %dma_start3A = tpu.memref_slice %arg5[%multiple_of3A_9] : memref<3128xi32, #tpu.memory_space<vmem>> -> memref<40xi32, #tpu.memory_space<vmem>>
    %dma_start3A_10 = arith.constant 0 : i32
    %dma_start3A_11 = arith.constant 0 : i32
    %dma_start3A_12 = tpu.memref_slice %arg2[%dma_start3A_10, %dma_start3A_11] : memref<100000x1024xf32, #tpu.memory_space<hbm>> -> memref<100000x1024xf32, #tpu.memory_space<hbm>>
    tpu.enqueue_indirect_dma source(%dma_start3A_12 : memref<100000x1024xf32, #tpu.memory_space<hbm>>) target(%arg6 : memref<40x1024xf32, #tpu.memory_space<vmem>>) offsets(%dma_start3A : memref<40xi32, #tpu.memory_space<vmem>>) semaphore(%arg9 : memref<!tpu.dma_semaphore, #tpu.memory_space<semaphore_mem>>)
    %multiple_of3A_13 = arith.constant 40 : i32
    %multiple_of3A_14 = tpu.assume_multiple %multiple_of3A_13, 8 : i32
    %dma_start3A_15 = tpu.memref_slice %arg5[%multiple_of3A_14] : memref<3128xi32, #tpu.memory_space<vmem>> -> memref<40xi32, #tpu.memory_space<vmem>>
    %dma_start3A_16 = arith.constant 0 : i32
    %dma_start3A_17 = arith.constant 0 : i32
    %dma_start3A_18 = tpu.memref_slice %arg2[%dma_start3A_16, %dma_start3A_17] : memref<100000x1024xf32, #tpu.memory_space<hbm>> -> memref<100000x1024xf32, #tpu.memory_space<hbm>>
    tpu.enqueue_indirect_dma source(%dma_start3A_18 : memref<100000x1024xf32, #tpu.memory_space<hbm>>) target(%arg7 : memref<40x1024xf32, #tpu.memory_space<vmem>>) offsets(%dma_start3A_15 : memref<40xi32, #tpu.memory_space<vmem>>) semaphore(%arg10 : memref<!tpu.dma_semaphore, #tpu.memory_space<semaphore_mem>>)
    %multiple_of3A_19 = arith.constant 80 : i32
    %multiple_of3A_20 = tpu.assume_multiple %multiple_of3A_19, 8 : i32
    %dma_start3A_21 = tpu.memref_slice %arg5[%multiple_of3A_20] : memref<3128xi32, #tpu.memory_space<vmem>> -> memref<40xi32, #tpu.memory_space<vmem>>
    %dma_start3A_22 = arith.constant 0 : i32
    %dma_start3A_23 = arith.constant 0 : i32
    %dma_start3A_24 = tpu.memref_slice %arg2[%dma_start3A_22, %dma_start3A_23] : memref<100000x1024xf32, #tpu.memory_space<hbm>> -> memref<100000x1024xf32, #tpu.memory_space<hbm>>
    tpu.enqueue_indirect_dma source(%dma_start3A_24 : memref<100000x1024xf32, #tpu.memory_space<hbm>>) target(%arg8 : memref<40x1024xf32, #tpu.memory_space<vmem>>) offsets(%dma_start3A_21 : memref<40xi32, #tpu.memory_space<vmem>>) semaphore(%arg11 : memref<!tpu.dma_semaphore, #tpu.memory_space<semaphore_mem>>)
    %scan3A = arith.constant 0 : i32
    %scan3A_25 = arith.constant 0 : i32
    %scan3A_26 = arith.constant 26 : i32
    %scan3A_27 = arith.addi %scan3A_25, %scan3A_26 : i32
    %scan3A_28 = arith.constant 1 : i32
    scf.for %scan3A_31 = %scan3A_25 to %scan3A_27 step %scan3A_28  : i32 {
      %mul3A_32 = arith.constant 3 : i32
      %mul3A_33 = arith.muli %scan3A_31, %mul3A_32 : i32
      %add3A_34 = arith.constant 0 : i32
      %add3A_35 = arith.addi %mul3A_33, %add3A_34 : i32
      %dma_wait3A = arith.constant 0 : i32
      %dma_wait3A_36 = tpu.memref_slice %arg5[%dma_wait3A] : memref<3128xi32, #tpu.memory_space<vmem>> -> memref<40xi32, #tpu.memory_space<vmem>>
      %dma_wait3A_37 = arith.constant 0 : i32
      %dma_wait3A_38 = arith.constant 0 : i32
      %dma_wait3A_39 = tpu.memref_slice %arg2[%dma_wait3A_37, %dma_wait3A_38] : memref<100000x1024xf32, #tpu.memory_space<hbm>> -> memref<100000x1024xf32, #tpu.memory_space<hbm>>
      tpu.wait_indirect_dma semaphore(%arg9 : memref<!tpu.dma_semaphore, #tpu.memory_space<semaphore_mem>>) src(%dma_wait3A_39 : memref<100000x1024xf32, #tpu.memory_space<hbm>>) dst(%arg6 : memref<40x1024xf32, #tpu.memory_space<vmem>>)
      %mul3A_40 = arith.constant 40 : i32
      %mul3A_41 = arith.muli %add3A_35, %mul3A_40 : i32
      %multiple_of3A_42 = tpu.assume_multiple %mul3A_41, 8 : i32
      %add3A_43 = arith.addi %multiple_of3A, %multiple_of3A_42 : i32
      %dma_start3A_44 = arith.constant 0 : i32
      %dma_start3A_45 = tpu.memref_slice %arg4[%add3A_43, %dma_start3A_44] : memref<100000x1024xf32, #tpu.memory_space<hbm>> -> memref<40x1024xf32, #tpu.memory_space<hbm>>
      %dma_start3A_46 = arith.constant 0 : i32
      %dma_start3A_47 = tpu.memref_slice %arg4[%add3A_43, %dma_start3A_46] : memref<100000x1024xf32, #tpu.memory_space<hbm>> -> memref<40x1024xf32, #tpu.memory_space<hbm>>
      tpu.enqueue_dma source(%arg6 : memref<40x1024xf32, #tpu.memory_space<vmem>>) target(%dma_start3A_47 : memref<40x1024xf32, #tpu.memory_space<hbm>>) target_semaphore(%arg12 : memref<!tpu.dma_semaphore, #tpu.memory_space<semaphore_mem>>)
      %dma_wait3A_48 = arith.constant 0 : i32
      %dma_wait3A_49 = tpu.memref_slice %arg4[%multiple_of3A, %dma_wait3A_48] : memref<100000x1024xf32, #tpu.memory_space<hbm>> -> memref<40x1024xf32, #tpu.memory_space<hbm>>
      %dma_wait3A_50 = arith.constant 0 : i32
      %dma_wait3A_51 = tpu.memref_slice %arg4[%multiple_of3A, %dma_wait3A_50] : memref<100000x1024xf32, #tpu.memory_space<hbm>> -> memref<40x1024xf32, #tpu.memory_space<hbm>>
      tpu.wait_dma2 semaphore(%arg12 : memref<!tpu.dma_semaphore, #tpu.memory_space<semaphore_mem>>) src(%arg6 : memref<40x1024xf32, #tpu.memory_space<vmem>>) dst(%dma_wait3A_51 : memref<40x1024xf32, #tpu.memory_space<hbm>>)
      %add3A_52 = arith.constant 3 : i32
      %add3A_53 = arith.addi %add3A_35, %add3A_52 : i32
      %lt3A_54 = arith.constant 78 : i32
      %lt3A_55 = arith.cmpi slt, %add3A_53, %lt3A_54 : i32
      %convert_element_type3A_56 = arith.extui %lt3A_55 : i1 to i32
      %cond3A_57 = arith.constant 0 : i32
      %cond3A_58 = arith.cmpi ne, %convert_element_type3A_56, %cond3A_57 : i32
      scf.if %cond3A_58 {
        %add3A_111 = arith.constant 3 : i32
        %add3A_112 = arith.addi %add3A_35, %add3A_111 : i32
        %mul3A_113 = arith.constant 40 : i32
        %mul3A_114 = arith.muli %add3A_112, %mul3A_113 : i32
        %multiple_of3A_115 = tpu.assume_multiple %mul3A_114, 8 : i32
        %dma_start3A_116 = tpu.memref_slice %arg5[%multiple_of3A_115] : memref<3128xi32, #tpu.memory_space<vmem>> -> memref<40xi32, #tpu.memory_space<vmem>>
        %dma_start3A_117 = arith.constant 0 : i32
        %dma_start3A_118 = arith.constant 0 : i32
        %dma_start3A_119 = tpu.memref_slice %arg2[%dma_start3A_117, %dma_start3A_118] : memref<100000x1024xf32, #tpu.memory_space<hbm>> -> memref<100000x1024xf32, #tpu.memory_space<hbm>>
        tpu.enqueue_indirect_dma source(%dma_start3A_119 : memref<100000x1024xf32, #tpu.memory_space<hbm>>) target(%arg6 : memref<40x1024xf32, #tpu.memory_space<vmem>>) offsets(%dma_start3A_116 : memref<40xi32, #tpu.memory_space<vmem>>) semaphore(%arg9 : memref<!tpu.dma_semaphore, #tpu.memory_space<semaphore_mem>>)
      } else {
      }
      %add3A_59 = arith.constant 1 : i32
      %add3A_60 = arith.addi %mul3A_33, %add3A_59 : i32
      %dma_wait3A_61 = arith.constant 0 : i32
      %dma_wait3A_62 = tpu.memref_slice %arg5[%dma_wait3A_61] : memref<3128xi32, #tpu.memory_space<vmem>> -> memref<40xi32, #tpu.memory_space<vmem>>
      %dma_wait3A_63 = arith.constant 0 : i32
      %dma_wait3A_64 = arith.constant 0 : i32
      %dma_wait3A_65 = tpu.memref_slice %arg2[%dma_wait3A_63, %dma_wait3A_64] : memref<100000x1024xf32, #tpu.memory_space<hbm>> -> memref<100000x1024xf32, #tpu.memory_space<hbm>>
      tpu.wait_indirect_dma semaphore(%arg10 : memref<!tpu.dma_semaphore, #tpu.memory_space<semaphore_mem>>) src(%dma_wait3A_65 : memref<100000x1024xf32, #tpu.memory_space<hbm>>) dst(%arg7 : memref<40x1024xf32, #tpu.memory_space<vmem>>)
      %mul3A_66 = arith.constant 40 : i32
      %mul3A_67 = arith.muli %add3A_60, %mul3A_66 : i32
      %multiple_of3A_68 = tpu.assume_multiple %mul3A_67, 8 : i32
      %add3A_69 = arith.addi %multiple_of3A, %multiple_of3A_68 : i32
      %dma_start3A_70 = arith.constant 0 : i32
      %dma_start3A_71 = tpu.memref_slice %arg4[%add3A_69, %dma_start3A_70] : memref<100000x1024xf32, #tpu.memory_space<hbm>> -> memref<40x1024xf32, #tpu.memory_space<hbm>>
      %dma_start3A_72 = arith.constant 0 : i32
      %dma_start3A_73 = tpu.memref_slice %arg4[%add3A_69, %dma_start3A_72] : memref<100000x1024xf32, #tpu.memory_space<hbm>> -> memref<40x1024xf32, #tpu.memory_space<hbm>>
      tpu.enqueue_dma source(%arg7 : memref<40x1024xf32, #tpu.memory_space<vmem>>) target(%dma_start3A_73 : memref<40x1024xf32, #tpu.memory_space<hbm>>) target_semaphore(%arg13 : memref<!tpu.dma_semaphore, #tpu.memory_space<semaphore_mem>>)
      %dma_wait3A_74 = arith.constant 0 : i32
      %dma_wait3A_75 = tpu.memref_slice %arg4[%multiple_of3A, %dma_wait3A_74] : memref<100000x1024xf32, #tpu.memory_space<hbm>> -> memref<40x1024xf32, #tpu.memory_space<hbm>>
      %dma_wait3A_76 = arith.constant 0 : i32
      %dma_wait3A_77 = tpu.memref_slice %arg4[%multiple_of3A, %dma_wait3A_76] : memref<100000x1024xf32, #tpu.memory_space<hbm>> -> memref<40x1024xf32, #tpu.memory_space<hbm>>
      tpu.wait_dma2 semaphore(%arg13 : memref<!tpu.dma_semaphore, #tpu.memory_space<semaphore_mem>>) src(%arg7 : memref<40x1024xf32, #tpu.memory_space<vmem>>) dst(%dma_wait3A_77 : memref<40x1024xf32, #tpu.memory_space<hbm>>)
      %add3A_78 = arith.constant 3 : i32
      %add3A_79 = arith.addi %add3A_60, %add3A_78 : i32
      %lt3A_80 = arith.constant 78 : i32
      %lt3A_81 = arith.cmpi slt, %add3A_79, %lt3A_80 : i32
      %convert_element_type3A_82 = arith.extui %lt3A_81 : i1 to i32
      %cond3A_83 = arith.constant 0 : i32
      %cond3A_84 = arith.cmpi ne, %convert_element_type3A_82, %cond3A_83 : i32
      scf.if %cond3A_84 {
        %add3A_111 = arith.constant 3 : i32
        %add3A_112 = arith.addi %add3A_60, %add3A_111 : i32
        %mul3A_113 = arith.constant 40 : i32
        %mul3A_114 = arith.muli %add3A_112, %mul3A_113 : i32
        %multiple_of3A_115 = tpu.assume_multiple %mul3A_114, 8 : i32
        %dma_start3A_116 = tpu.memref_slice %arg5[%multiple_of3A_115] : memref<3128xi32, #tpu.memory_space<vmem>> -> memref<40xi32, #tpu.memory_space<vmem>>
        %dma_start3A_117 = arith.constant 0 : i32
        %dma_start3A_118 = arith.constant 0 : i32
        %dma_start3A_119 = tpu.memref_slice %arg2[%dma_start3A_117, %dma_start3A_118] : memref<100000x1024xf32, #tpu.memory_space<hbm>> -> memref<100000x1024xf32, #tpu.memory_space<hbm>>
        tpu.enqueue_indirect_dma source(%dma_start3A_119 : memref<100000x1024xf32, #tpu.memory_space<hbm>>) target(%arg7 : memref<40x1024xf32, #tpu.memory_space<vmem>>) offsets(%dma_start3A_116 : memref<40xi32, #tpu.memory_space<vmem>>) semaphore(%arg10 : memref<!tpu.dma_semaphore, #tpu.memory_space<semaphore_mem>>)
      } else {
      }
      %add3A_85 = arith.constant 2 : i32
      %add3A_86 = arith.addi %mul3A_33, %add3A_85 : i32
      %dma_wait3A_87 = arith.constant 0 : i32
      %dma_wait3A_88 = tpu.memref_slice %arg5[%dma_wait3A_87] : memref<3128xi32, #tpu.memory_space<vmem>> -> memref<40xi32, #tpu.memory_space<vmem>>
      %dma_wait3A_89 = arith.constant 0 : i32
      %dma_wait3A_90 = arith.constant 0 : i32
      %dma_wait3A_91 = tpu.memref_slice %arg2[%dma_wait3A_89, %dma_wait3A_90] : memref<100000x1024xf32, #tpu.memory_space<hbm>> -> memref<100000x1024xf32, #tpu.memory_space<hbm>>
      tpu.wait_indirect_dma semaphore(%arg11 : memref<!tpu.dma_semaphore, #tpu.memory_space<semaphore_mem>>) src(%dma_wait3A_91 : memref<100000x1024xf32, #tpu.memory_space<hbm>>) dst(%arg8 : memref<40x1024xf32, #tpu.memory_space<vmem>>)
      %mul3A_92 = arith.constant 40 : i32
      %mul3A_93 = arith.muli %add3A_86, %mul3A_92 : i32
      %multiple_of3A_94 = tpu.assume_multiple %mul3A_93, 8 : i32
      %add3A_95 = arith.addi %multiple_of3A, %multiple_of3A_94 : i32
      %dma_start3A_96 = arith.constant 0 : i32
      %dma_start3A_97 = tpu.memref_slice %arg4[%add3A_95, %dma_start3A_96] : memref<100000x1024xf32, #tpu.memory_space<hbm>> -> memref<40x1024xf32, #tpu.memory_space<hbm>>
      %dma_start3A_98 = arith.constant 0 : i32
      %dma_start3A_99 = tpu.memref_slice %arg4[%add3A_95, %dma_start3A_98] : memref<100000x1024xf32, #tpu.memory_space<hbm>> -> memref<40x1024xf32, #tpu.memory_space<hbm>>
      tpu.enqueue_dma source(%arg8 : memref<40x1024xf32, #tpu.memory_space<vmem>>) target(%dma_start3A_99 : memref<40x1024xf32, #tpu.memory_space<hbm>>) target_semaphore(%arg14 : memref<!tpu.dma_semaphore, #tpu.memory_space<semaphore_mem>>)
      %dma_wait3A_100 = arith.constant 0 : i32
      %dma_wait3A_101 = tpu.memref_slice %arg4[%multiple_of3A, %dma_wait3A_100] : memref<100000x1024xf32, #tpu.memory_space<hbm>> -> memref<40x1024xf32, #tpu.memory_space<hbm>>
      %dma_wait3A_102 = arith.constant 0 : i32
      %dma_wait3A_103 = tpu.memref_slice %arg4[%multiple_of3A, %dma_wait3A_102] : memref<100000x1024xf32, #tpu.memory_space<hbm>> -> memref<40x1024xf32, #tpu.memory_space<hbm>>
      tpu.wait_dma2 semaphore(%arg14 : memref<!tpu.dma_semaphore, #tpu.memory_space<semaphore_mem>>) src(%arg8 : memref<40x1024xf32, #tpu.memory_space<vmem>>) dst(%dma_wait3A_103 : memref<40x1024xf32, #tpu.memory_space<hbm>>)
      %add3A_104 = arith.constant 3 : i32
      %add3A_105 = arith.addi %add3A_86, %add3A_104 : i32
      %lt3A_106 = arith.constant 78 : i32
      %lt3A_107 = arith.cmpi slt, %add3A_105, %lt3A_106 : i32
      %convert_element_type3A_108 = arith.extui %lt3A_107 : i1 to i32
      %cond3A_109 = arith.constant 0 : i32
      %cond3A_110 = arith.cmpi ne, %convert_element_type3A_108, %cond3A_109 : i32
      scf.if %cond3A_110 {
        %add3A_111 = arith.constant 3 : i32
        %add3A_112 = arith.addi %add3A_86, %add3A_111 : i32
        %mul3A_113 = arith.constant 40 : i32
        %mul3A_114 = arith.muli %add3A_112, %mul3A_113 : i32
        %multiple_of3A_115 = tpu.assume_multiple %mul3A_114, 8 : i32
        %dma_start3A_116 = tpu.memref_slice %arg5[%multiple_of3A_115] : memref<3128xi32, #tpu.memory_space<vmem>> -> memref<40xi32, #tpu.memory_space<vmem>>
        %dma_start3A_117 = arith.constant 0 : i32
        %dma_start3A_118 = arith.constant 0 : i32
        %dma_start3A_119 = tpu.memref_slice %arg2[%dma_start3A_117, %dma_start3A_118] : memref<100000x1024xf32, #tpu.memory_space<hbm>> -> memref<100000x1024xf32, #tpu.memory_space<hbm>>
        tpu.enqueue_indirect_dma source(%dma_start3A_119 : memref<100000x1024xf32, #tpu.memory_space<hbm>>) target(%arg8 : memref<40x1024xf32, #tpu.memory_space<vmem>>) offsets(%dma_start3A_116 : memref<40xi32, #tpu.memory_space<vmem>>) semaphore(%arg11 : memref<!tpu.dma_semaphore, #tpu.memory_space<semaphore_mem>>)
      } else {
      }
    }
    %scan3A_29 = arith.constant 26 : i32
    %convert_element_type3A = arith.extui %lt3A_7 : i1 to i32
    %cond3A = arith.constant 0 : i32
    %cond3A_30 = arith.cmpi ne, %convert_element_type3A, %cond3A : i32
    scf.if %cond3A_30 {
      %multiple_of3A_31 = arith.constant 3120 : i32
      %multiple_of3A_32 = tpu.assume_multiple %multiple_of3A_31, 8 : i32
      %add3A_33 = arith.addi %multiple_of3A, %multiple_of3A_32 : i32
      "tpu.region"() ({
        %run_scoped3A = tpu.sem_alloc : memref<!tpu.dma_semaphore, #tpu.memory_space<semaphore_mem>>
        %dma_start3A_68 = tpu.memref_slice %arg5[%multiple_of3A_32] : memref<3128xi32, #tpu.memory_space<vmem>> -> memref<8xi32, #tpu.memory_space<vmem>>
        %dma_start3A_69 = tpu.memref_slice %arg3[%add3A_33] : memref<100000xi32, #tpu.memory_space<hbm>> -> memref<8xi32, #tpu.memory_space<hbm>>
        %dma_start3A_70 = tpu.memref_slice %arg5[%multiple_of3A_32] : memref<3128xi32, #tpu.memory_space<vmem>> -> memref<8xi32, #tpu.memory_space<vmem>>
        %dma_start3A_71 = tpu.memref_slice %arg3[%add3A_33] : memref<100000xi32, #tpu.memory_space<hbm>> -> memref<8xi32, #tpu.memory_space<hbm>>
        tpu.enqueue_dma source(%dma_start3A_71 : memref<8xi32, #tpu.memory_space<hbm>>) target(%dma_start3A_70 : memref<8xi32, #tpu.memory_space<vmem>>) target_semaphore(%run_scoped3A : memref<!tpu.dma_semaphore, #tpu.memory_space<semaphore_mem>>)
        %dma_wait3A_72 = tpu.memref_slice %arg5[%multiple_of3A_32] : memref<3128xi32, #tpu.memory_space<vmem>> -> memref<8xi32, #tpu.memory_space<vmem>>
        %dma_wait3A_73 = tpu.memref_slice %arg3[%add3A_33] : memref<100000xi32, #tpu.memory_space<hbm>> -> memref<8xi32, #tpu.memory_space<hbm>>
        %dma_wait3A_74 = tpu.memref_slice %arg5[%multiple_of3A_32] : memref<3128xi32, #tpu.memory_space<vmem>> -> memref<8xi32, #tpu.memory_space<vmem>>
        %dma_wait3A_75 = tpu.memref_slice %arg3[%add3A_33] : memref<100000xi32, #tpu.memory_space<hbm>> -> memref<8xi32, #tpu.memory_space<hbm>>
        tpu.wait_dma2 semaphore(%run_scoped3A : memref<!tpu.dma_semaphore, #tpu.memory_space<semaphore_mem>>) src(%dma_wait3A_75 : memref<8xi32, #tpu.memory_space<hbm>>) dst(%dma_wait3A_74 : memref<8xi32, #tpu.memory_space<vmem>>)
        tpu.yield
      }) : () -> ()
      %dma_start3A_34 = arith.constant 0 : i32
      %dma_start3A_35 = arith.constant 0 : i32
      %dma_start3A_36 = tpu.memref_slice %arg6[%dma_start3A_34, %dma_start3A_35] : memref<40x1024xf32, #tpu.memory_space<vmem>> -> memref<8x1024xf32, #tpu.memory_space<vmem>>
      %dma_start3A_37 = tpu.memref_slice %arg5[%multiple_of3A_32] : memref<3128xi32, #tpu.memory_space<vmem>> -> memref<8xi32, #tpu.memory_space<vmem>>
      %dma_start3A_38 = arith.constant 0 : i32
      %dma_start3A_39 = arith.constant 0 : i32
      %dma_start3A_40 = tpu.memref_slice %arg2[%dma_start3A_38, %dma_start3A_39] : memref<100000x1024xf32, #tpu.memory_space<hbm>> -> memref<100000x1024xf32, #tpu.memory_space<hbm>>
      tpu.enqueue_indirect_dma source(%dma_start3A_40 : memref<100000x1024xf32, #tpu.memory_space<hbm>>) target(%dma_start3A_36 : memref<8x1024xf32, #tpu.memory_space<vmem>>) offsets(%dma_start3A_37 : memref<8xi32, #tpu.memory_space<vmem>>) semaphore(%arg9 : memref<!tpu.dma_semaphore, #tpu.memory_space<semaphore_mem>>)
      %dma_wait3A = arith.constant 0 : i32
      %dma_wait3A_41 = arith.constant 0 : i32
      %dma_wait3A_42 = tpu.memref_slice %arg6[%dma_wait3A, %dma_wait3A_41] : memref<40x1024xf32, #tpu.memory_space<vmem>> -> memref<8x1024xf32, #tpu.memory_space<vmem>>
      %dma_wait3A_43 = tpu.memref_slice %arg5[%multiple_of3A_32] : memref<3128xi32, #tpu.memory_space<vmem>> -> memref<8xi32, #tpu.memory_space<vmem>>
      %dma_wait3A_44 = arith.constant 0 : i32
      %dma_wait3A_45 = arith.constant 0 : i32
      %dma_wait3A_46 = tpu.memref_slice %arg2[%dma_wait3A_44, %dma_wait3A_45] : memref<100000x1024xf32, #tpu.memory_space<hbm>> -> memref<100000x1024xf32, #tpu.memory_space<hbm>>
      tpu.wait_indirect_dma semaphore(%arg9 : memref<!tpu.dma_semaphore, #tpu.memory_space<semaphore_mem>>) src(%dma_wait3A_46 : memref<100000x1024xf32, #tpu.memory_space<hbm>>) dst(%dma_wait3A_42 : memref<8x1024xf32, #tpu.memory_space<vmem>>)
      %add3A_47 = arith.addi %multiple_of3A, %multiple_of3A_32 : i32
      %dma_start3A_48 = arith.constant 0 : i32
      %dma_start3A_49 = arith.constant 0 : i32
      %dma_start3A_50 = tpu.memref_slice %arg6[%dma_start3A_48, %dma_start3A_49] : memref<40x1024xf32, #tpu.memory_space<vmem>> -> memref<8x1024xf32, #tpu.memory_space<vmem>>
      %dma_start3A_51 = arith.constant 0 : i32
      %dma_start3A_52 = tpu.memref_slice %arg4[%add3A_47, %dma_start3A_51] : memref<100000x1024xf32, #tpu.memory_space<hbm>> -> memref<8x1024xf32, #tpu.memory_space<hbm>>
      %dma_start3A_53 = arith.constant 0 : i32
      %dma_start3A_54 = tpu.memref_slice %arg4[%add3A_47, %dma_start3A_53] : memref<100000x1024xf32, #tpu.memory_space<hbm>> -> memref<8x1024xf32, #tpu.memory_space<hbm>>
      %dma_start3A_55 = arith.constant 0 : i32
      %dma_start3A_56 = arith.constant 0 : i32
      %dma_start3A_57 = tpu.memref_slice %arg6[%dma_start3A_55, %dma_start3A_56] : memref<40x1024xf32, #tpu.memory_space<vmem>> -> memref<8x1024xf32, #tpu.memory_space<vmem>>
      tpu.enqueue_dma source(%dma_start3A_57 : memref<8x1024xf32, #tpu.memory_space<vmem>>) target(%dma_start3A_54 : memref<8x1024xf32, #tpu.memory_space<hbm>>) target_semaphore(%arg12 : memref<!tpu.dma_semaphore, #tpu.memory_space<semaphore_mem>>)
      %dma_wait3A_58 = arith.constant 0 : i32
      %dma_wait3A_59 = arith.constant 0 : i32
      %dma_wait3A_60 = tpu.memref_slice %arg6[%dma_wait3A_58, %dma_wait3A_59] : memref<40x1024xf32, #tpu.memory_space<vmem>> -> memref<8x1024xf32, #tpu.memory_space<vmem>>
      %dma_wait3A_61 = arith.constant 0 : i32
      %dma_wait3A_62 = tpu.memref_slice %arg4[%multiple_of3A, %dma_wait3A_61] : memref<100000x1024xf32, #tpu.memory_space<hbm>> -> memref<8x1024xf32, #tpu.memory_space<hbm>>
      %dma_wait3A_63 = arith.constant 0 : i32
      %dma_wait3A_64 = tpu.memref_slice %arg4[%multiple_of3A, %dma_wait3A_63] : memref<100000x1024xf32, #tpu.memory_space<hbm>> -> memref<8x1024xf32, #tpu.memory_space<hbm>>
      %dma_wait3A_65 = arith.constant 0 : i32
      %dma_wait3A_66 = arith.constant 0 : i32
      %dma_wait3A_67 = tpu.memref_slice %arg6[%dma_wait3A_65, %dma_wait3A_66] : memref<40x1024xf32, #tpu.memory_space<vmem>> -> memref<8x1024xf32, #tpu.memory_space<vmem>>
      tpu.wait_dma2 semaphore(%arg12 : memref<!tpu.dma_semaphore, #tpu.memory_space<semaphore_mem>>) src(%dma_wait3A_67 : memref<8x1024xf32, #tpu.memory_space<vmem>>) dst(%dma_wait3A_64 : memref<8x1024xf32, #tpu.memory_space<hbm>>)
    } else {
    }
    return
  }
}

</mosaic_0001>

<sc_bundles>
// kernel: kernel.3.cloned.1.call-start
scs
__scs_entry_jumppad:
0x0: {  	(pc) =	sbr.rel $0x88, $3  }
0x1: {  	(tag) =	ssettag $0x0;
	lr =	simm.s32 $0x1  }
0x2: {  	[smem:$0x3F9F] =	sst lr;
	_ =	strace $0xD0000000  }
0x3: {  	_ = 	snop  }
0x4: {  	_ = 	snop  }
0x5: {  	_ = 	snop  }
0x6: {  	_ = 	snop  }
0x7: {  	_ = 	snop  }
__scs_overlays_trampoline_lowered:
0x8: {  	[smem:$0x3FAE] =	sst s0  }
0x9: {  	[smem:$0x3FAF] =	sst s1  }
0xa: {  	[smem:$0x3FB0] =	sst s2  }
0xb: {  	[smem:$0x3FB1] =	sst s3  }
0xc: {  	[smem:$0x3FB2] =	sst s4  }
0xd: {  	[smem:$0x3FB3] =	sst s5  }
0xe: {  	[smem:$0x3FB4] =	sst s6  }
0xf: {  	[smem:$0x3FB5] =	sst s7  }
0x10: {  	[smem:$0x3FB6] =	sst s8  }
0x11: {  	[smem:$0x3FB7] =	sst s9;
	s0 =	simm.s32 @!p0 $0x0  }
0x12: {  	s1 =	sld [smem:$0x3F9D];
	s0 =	simm.s32 @p0 $0x1  }
0x13: {  	[smem:$0x3FB8] =	sst s0;
	s0 =	simm.s32 @!p1 $0x0  }
0x14: {  	s2 =	sld [smem:$0x3F9C];
	s0 =	simm.s32 @p1 $0x1  }
0x15: {  	[smem:$0x3FB9] =	sst s0;
	s0 =	simm.s32 @!p2 $0x0  }
0x16: {  	s3 =	sld [smem:$0x3FDB];
	s0 =	simm.s32 @p2 $0x1  }
0x17: {  	s4 =	simm.s32 $0x1BF5;
	[smem:$0x3FBB] =	sst s0  }
0x18: {  	s0 =	sld [smem:$0x3F9E];
	_ =	swait.ge [sflag:s4], $0x0  }
0x19: {  	s7 =	sld [smem:$0x3F9F]  }
0x1a: {  	s8 =	sadd.s32 $0xFFFFE003, lr  }
0x1b: {  	s9 =	sadd.s32 $0xFFFFFEF7, lr;
	s5 =	simm.s32 $0xFFFFFFFF;
	p2 =	slt.u32 s8, $0xFFFFF086  }
0x1c: {  	p1 =	slt.u32 s9, $0xF7A;
	s5 =	simm.s32 @!p2 $0x0  }
0x1d: {  	s5 =	simm.s32 @p1 $0x1;
	p0 =	seq.s32 s7, s2  }
0x1e: {  	s7 =	smul.u32 @!p0 $0xF7A, s2;
	p2 =	seq.s32 @!p0 s5, $0x0  }
0x1f: {  	s9 =	smul.u32 $0xF7A, s1;
	s8 =	simm.s32 @!p0 $0x1BF5;
	p2 =	por !p2, p0  }
0x20: {  	[sflag:s8] =	ssyncset.s32 @!p0 $0xFFFFF086;
	s6 =	sadd.s32 @!p0 s3, s7;
	s7 =	simm.s32 @!p0 $0x108  }
0x21: {  	s3 =	sadd.s32 s3, s9;
	s6 =	sadd.s32 @!p0 $0x88, s6;
	s7 =	simm.s32 @p2 $0x1082  }
0x22: {  	[simem:s7], [sflag:s8] =	dma.local @!p0 [hbm:s6], $0xF7A  }
0x23: {  	s9 =	sor.u32 $0xD0000000, s2;
	s6 =	simm.s32 $0x108;
	_ =	swait.ge @!p0 [sflag:s8], $0x0  }
0x24: {  	s3 =	sadd.s32 $0x88, s3;
	s6 =	simm.s32 @!p1 $0x1082;
	[sflag:s4] =	ssyncset.s32 $0xFFFFF086  }
0x25: {  	[simem:s6], [sflag:s4] =	dma.local [hbm:s3], $0xF7A  }
0x26: {  	[smem:$0x3F9F] =	sst s1;
	(tag) =	ssettag s2;
	_ =	strace s9  }
0x27: {  	s1 =	sld [smem:$0x3FAF]  }
0x28: {  	s2 =	sld [smem:$0x3FB0]  }
0x29: {  	s4 =	sld [smem:$0x3FB2]  }
0x2a: {  	p0 =	seq.s32 s5, $0x0;
	s5 =	sld [smem:$0x3FB3]  }
0x2b: {  	s6 =	sld [smem:$0x3FB4]  }
0x2c: {  	s7 =	sld [smem:$0x3FB5]  }
0x2d: {  	s3 =	simm.s32 $0x108;
	s8 =	sld [smem:$0x3FB6]  }
0x2e: {  	s3 =	simm.s32 @!p0 $0x1082;
	s9 =	sld [smem:$0x3FB7]  }
0x2f: {  	lr =	sadd.s32 s0, s3;
	s0 =	sld [smem:$0x3FAE]  }
0x30: {  	s3 =	sld [smem:$0x3FB1]  }
0x31: {  	[smem:$0x3FBA] =	sst s10  }
0x32: {  	s10 =	sld [smem:$0x3FB8];
	_ =	sdelay $0x3  }
0x33: {  	p0 =	seq.s32 s10, $0x1;
	s10 =	sld [smem:$0x3FBA];
	_ =	sdelay $0x3  }
0x34: {  	[smem:$0x3FBA] =	sst s10  }
0x35: {  	s10 =	sld [smem:$0x3FB9];
	_ =	sdelay $0x3  }
0x36: {  	p1 =	seq.s32 s10, $0x1;
	s10 =	sld [smem:$0x3FBA];
	_ =	sdelay $0x3  }
0x37: {  	[smem:$0x3FBA] =	sst s10  }
0x38: {  	s10 =	sld [smem:$0x3FBB]  }
0x39: {  	_ = 	snop;
	(pc) =	sbr.ind lr, $3  }
0x3a: {  	_ = 	snop  }
0x3b: {  	_ = 	snop  }
0x3c: {  	p2 =	seq.s32 s10, $0x1;
	s10 =	sld [smem:$0x3FBA]  }
0x3d: {  	_ =	shalt  }
0x3e: {  	_ =	shalt  }
0x3f: {  	_ =	shalt  }
0x40: {  	_ =	shalt  }
0x41: {  	_ =	shalt  }
0x42: {  	_ =	shalt  }
0x43: {  	_ =	shalt  }
0x44: {  	_ =	shalt  }
0x45: {  	_ =	shalt  }
0x46: {  	_ =	shalt  }
0x47: {  	_ =	shalt  }
0x48: {  	_ =	shalt  }
0x49: {  	_ =	shalt  }
0x4a: {  	_ =	shalt  }
0x4b: {  	_ =	shalt  }
0x4c: {  	_ =	shalt  }
0x4d: {  	_ =	shalt  }
0x4e: {  	_ =	shalt  }
0x4f: {  	_ =	shalt  }
0x50: {  	_ =	shalt  }
0x51: {  	_ =	shalt  }
0x52: {  	_ =	shalt  }
0x53: {  	_ =	shalt  }
0x54: {  	_ =	shalt  }
0x55: {  	_ =	shalt  }
0x56: {  	_ =	shalt  }
0x57: {  	_ =	shalt  }
0x58: {  	_ =	shalt  }
0x59: {  	_ =	shalt  }
0x5a: {  	_ =	shalt  }
0x5b: {  	_ =	shalt  }
0x5c: {  	_ =	shalt  }
0x5d: {  	_ =	shalt  }
0x5e: {  	_ =	shalt  }
0x5f: {  	_ =	shalt  }
0x60: {  	_ =	shalt  }
0x61: {  	_ =	shalt  }
0x62: {  	_ =	shalt  }
0x63: {  	_ =	shalt  }
0x64: {  	_ =	shalt  }
0x65: {  	_ =	shalt  }
0x66: {  	_ =	shalt  }
0x67: {  	_ =	shalt  }
0x68: {  	_ =	shalt  }
0x69: {  	_ =	shalt  }
0x6a: {  	_ =	shalt  }
0x6b: {  	_ =	shalt  }
0x6c: {  	_ =	shalt  }
0x6d: {  	_ =	shalt  }
0x6e: {  	_ =	shalt  }
0x6f: {  	_ =	shalt  }
0x70: {  	_ =	shalt  }
0x71: {  	_ =	shalt  }
0x72: {  	_ =	shalt  }
0x73: {  	_ =	shalt  }
0x74: {  	_ =	shalt  }
0x75: {  	_ =	shalt  }
0x76: {  	_ =	shalt  }
0x77: {  	_ =	shalt  }
0x78: {  	_ =	shalt  }
0x79: {  	_ =	shalt  }
0x7a: {  	_ =	shalt  }
0x7b: {  	_ =	shalt  }
0x7c: {  	_ =	shalt  }
0x7d: {  	_ =	shalt  }
0x7e: {  	_ =	shalt  }
0x7f: {  	_ =	shalt  }
0x80: {  	_ =	shalt  }
0x81: {  	_ =	shalt  }
0x82: {  	_ =	shalt  }
0x83: {  	_ =	shalt  }
0x84: {  	_ =	shalt  }
0x85: {  	_ =	shalt  }
0x86: {  	_ =	shalt  }
0x87: {  	_ =	shalt  }
.Lfunc_end0:
.L_simem_size_0:
called_computation_lowered:
.L_overlay_start_0:
0x88: {  	s2 =	sld [smem:$0x3FD9]  }
0x89: {  	s3 =	sld [smem:$0x3FFE];
	_ =	sdelay $0x1  }
0x8a: {  	s1 =	srdreg.scid  }
0x8b: {  	s0 =	sand.u32 $0x1, s1  }
0x8c: {  	s18 =	sshll.u32 s0, $0xA;
	s2 =	sadd.s32 s3, s2  }
0x8d: {  	s2 =	sadd.s32 s2, s18  }
0x8e: {  	[smem:$0x3FC6] =	sst s2  }
0x8f: {  	_ = 	snop  }
0x90: {  	s2 =	sld [smem:$0x3FC9]  }
0x91: {  	s19 =	sld [smem:$0x3FC8]  }
0x92: {  	s4 =	sld [smem:$0x3FD0];
	(tm) =	ssettm $0x1  }
0x93: {  	s5 =	sld [smem:$0x3FFB];
	_ =	sdelay $0x3  }
0x94: {  	_ =	strace s5  }
0x95: {  	s5 =	sld [smem:$0x3FFC];
	_ =	sdelay $0x3  }
0x96: {  	_ =	strace s5  }
0x97: {  	s5 =	sld [smem:$0x3FFD];
	_ =	sdelay $0x3  }
0x98: {  	_ =	strace s5  }
0x99: {  	_ =	strace $0x8FFFFFFF  }
0x9a: {  	s20 =	sld [smem:$0x3FDB];
	_ =	sdelay $0x1  }
0x9b: {  	s6 =	simm.s32 $_scs_section_size  }
0x9c: {  	s7 =	simm.s32 $_size__tile_overlayer_lowered;
	s8 =	simm.s32 $_tile_overlayer_lowered  }
0x9d: {  	s23 =	simm.s32 $0x1BFF;
	s22 =	sshll.u32 s8, $0x1;
	s5 =	sadd.s32 s6, s20  }
0x9e: {  	s9 =	simm.s32 $0x0;
	s21 =	sshll.u32 s7, $0x1;
	s7 =	sadd.s32 s22, s5  }
0x9f: {  	[timem:s9], [sflag:s23] =	dma.local [hbm:s7], s21  }
0xa0: {  	_ =	swait.ge [sflag:s23], s21  }
0xa1: {  	s6 =	ssub.s32 $0x0, s21;
	[sflag:s23] =	ssyncset.done $0x0  }
0xa2: {  	[sflag:s23] =	ssyncadd.s32 s6;
	_ =	sdelay $0x1  }
0xa3: {  	s24 =	simm.s32 $0x1B8B  }
0xa4: {  	_ =	swait.ge [sflag:s24], $0x1  }
0xa5: {  	[sflag:s24] =	ssyncset.done $0x0  }
0xa6: {  	s25 =	simm.s32 $0x1B8E;
	[sflag:s24] =	ssyncadd.s32 $0xFFFFFFFF  }
0xa7: {  	s26 =	simm.s32 $execute0_lowered;
	[smem:$0x3FD2] =	sst s25  }
0xa8: {  	s6 =	sshll.u32 s26, $0x1;
	_ =	strace $0x80000046;
	[dreg:$0x1] =	wrdreg $0xFFFFFFFF  }
0xa9: {  	s28 =	simm.s32 $_size_execute0_lowered;
	s5 =	sadd.s32 s5, s6;
	[dreg:$0x0] =	wrdreg $0x0  }
0xaa: {  	s6 =	sshll.u32 s28, $0x1;
	[dreg:$0x2] =	wrdreg s5  }
0xab: {  	[dreg:$0x3] =	wrdreg s6  }
0xac: {  	[dreg:$0x4] =	wrdreg $0xC0  }
0xad: {  	_ =	task [dreg:s9], $0x5FFFF  }
0xae: {  	[dreg:$0x1] =	wrdreg $0xFFFFFFFF  }
0xaf: {  	[dreg:$0x0] =	wrdreg $0x60  }
0xb0: {  	[dreg:$0x2] =	wrdreg s2  }
0xb1: {  	[dreg:$0x3] =	wrdreg s19  }
0xb2: {  	[dreg:$0x4] =	wrdreg s4  }
0xb3: {  	[dreg:$0x5] =	wrdreg $0x9  }
0xb4: {  	_ =	task.clear_ibuf [dreg:s9], $0x6FFFF;
	_ =	strace $0x90000046  }
0xb5: {  	s29 =	simm.s32 $0x9;
	_ =	strace $0x80000048  }
0xb6: {  	_ =	swait.ge [sflag:s29], $0x1  }
0xb7: {  	[sflag:s29] =	ssyncadd.s32 $0xFFFFFFFF  }
0xb8: {  	_ =	strace $0x90000048  }
0xb9: {  	_ =	sfence  }
0xba: {  	s30 =	sld [smem:$0x0];
	_ =	sdelay $0x2  }
0xbb: {  	s31 =	sshll.u32 s1, $0xD;
	s1 =	sshrl.u32 s1, $0x2  }
0xbc: {  	s3 =	sand.u32 $0x4000, s31;
	s1 =	sadd.s32 s1, s30  }
0xbd: {  	s0 =	sor.u32 s3, s0;
	s1 =	sshll.u32 s1, $0x11  }
0xbe: {  	s0 =	sor.u32 s1, s0  }
0xbf: {  	s0 =	sadd.s32 $0x8F2B, s0  }
0xc0: {  	[sflag:s0] =	ssyncadd.remote.s32 $0x1  }
0xc1: {  	_ =	sfence.sel $0xFFFF  }
0xc2: {  	[dreg:$0x0] =	wrdreg $0xFFFFFFFF;
	(pc) =	sbr.abs _section_cstart, $3  }
0xc3: {  	[dreg:$0x1] =	wrdreg $0xFFFFFFFF  }
0xc4: {  	_ =	task.clear_ibuf [dreg:s9], $0x2FFFF;
	_ =	strace $0x9FFFFFFF  }
0xc5: {  	(tm) =	ssettm $0x7FFFFFFF  }
tec
execute0_lowered:
.L_overlay_start_1:
0x0: {  	(tag) =	ssettag $0x1  }
0x1: {  	s1 =	rddreg [dreg:$0x0]  }
0x2: {  	s0 =	srdreg.scid;
	s4 =	rddreg [dreg:$0x1]  }
0x3: {  	s14 =	stileid.u32;
	s8 =	rddreg [dreg:$0x2];
	s3 =	simm.s32 $0x0  }
0x4: {  	s13 =	simm.s32 $0xC80;
	s30 =	simm.s32 $0x14C80;
	s15 =	simm.s32 $0x19480  }
0x5: {  	s16 =	simm.s32 $0x19C80;
	s17 =	simm.s32 $0x1A480;
	s18 =	simm.s32 $0x1AC80  }
0x6: {  	s19 =	simm.s32 $0x1B480;
	s20 =	simm.s32 $0x1BC80;
	s28 =	simm.s32 $0x4  }
0x7: {  	s29 =	simm.s32 $0x2;
	s31 =	simm.s32 $0x5;
	s0 =	sand.u32 $0x1, s0  }
0x8: {  	s2 =	sshll.u32 s14, $0x1;
	[smem:$0x7FF] =	sst s3;
	s11 =	smul.u32 $0xC3000, s14  }
0x9: {  	p0 =	sgt.u32 s14, $0x9;
	s14 =	simm.s32 $0x18C80;
	s2 =	sor.u32 s0, s2  }
0xa: {  	s7 =	ssub.s32 $0x2, s0;
	_ =	strace $0x80000047;
	s0 =	smul.u32 $0x61800, s0  }
0xb: {  	s5 =	smul.u32 $0xC30, s2;
	s2 =	smin.u32 s2, $0x14;
	s21 =	sshrl.u32 s7, $0x1  }
0xc: {  	s24 =	sadd.s32 s11, s8;
	s6 =	sshll.u32 s2, $0x3;
	s10 =	ssub.s32 s7, s21  }
0xd: {  	s7 =	sadd.s32 $0x300, s1;
	s0 =	sadd.s32 s0, s24;
	s2 =	sshll.u32 s2, $0xA  }
0xe: {  	s21 =	simm.s32 $0x1C480;
	s24 =	simm.s32 $0x1DC80;
	s6 =	sadd.s32 s5, s6  }
0xf: {  	s5 =	sadd.s32 $0x100, s1;
	s26 =	smax.u32 s10, $0x1;
	s11 =	sadd.s32 s2, s0  }
0x10: {  	s2 =	simm.s32 $0x3;
	s0 =	simm.s32 $0x6;
	s10 =	simm.s32 $0x0  }
0x11: {  	s9 =	sshrl.u32 s6, $0x3;
	s23 =	sadd.s32 $0xC30, s6;
	s6 =	sadd.s32 $0x200, s1  }
.Ltmp0:
0x12: {  	[dreg:$0x7] =	wrdreg s26;
	s26 =	simm.s32 $0x1;
	(pc) =	sbr.rel .LBB2_1-.Ltmp0, $4  }
0x13: {  	s22 =	sadd.s32 s4, s9;
	s12 =	sshrl.u32 s23, $0x3;
	s9 =	sshll.u32 s23, $0x7  }
0x14: {  	v2 =	vlaneseq.u32;
	s23 =	simm.s32 $0x1D480;
	[dreg:$0x4] =	wrdreg s22;
	s4 =	sadd.s32 s4, s12  }
0x15: {  	vm0 =	vmmov $0xffff;
	v1 =	vshrl.u32 v2, $0x3;
	v0 =	vand.u32 $0x7, v2;
	s25 =	sadd.s32 s8, s9;
	s22 =	simm.s32 $0x1CC80;
	[dreg:$0x5] =	wrdreg s4  }
0x16: {  	v2 =	vor.u32 $0x8, v2;
	v1 =	vmul.u32 $0x8, v1;
	vm1 =	vmmov @!p0 $0xffff;
	[dreg:$0x6] =	wrdreg s25;
	s4 =	simm.s32 $0xAC80;
	s25 =	simm.s32 $0x1E480  }
.LBB2_8:
0x17: {  	s8 =	simm.s32 @!p0 $0x0;
	s9 =	simm.s32 @!p0 $0xC30;
	s10 =	rddreg [dreg:$0x5]  }
0x18: {  	[tilespmem:s9], [sflag:$0x7] =	stream.linear.gather @!p0 [hbm4b:s10+s8], $0x8, $0x38;
	[tilespmem:$0x1EC80] =	vst v63  }
0x19: {  	s9 =	simm.s32 @!p0 $0x7  }
0x1a: {  	_ =	swait.ge @!p0 [sflag:s9], $0x8  }
0x1b: {  	[sflag:s9] =	ssyncset.done @!p0 $0x0  }
0x1c: {  	[sflag:s9] =	ssyncadd.s32 @!p0 $0xFFFFFFF8  }
0x1d: {  	v3 =	vld.msk @!p0 [tilespmem:$0xC30], $0xff;
	_ =	sdelay $0x4  }
0x1e: {  	v4 =	vshll.u32 @!p0 v3, $0x3  }
0x1f: {  	v5 =	vlaneseq.u32 @!p0;
	v3 =	vand.u32 @!p0 $0x7, v3;
	v4 =	vand.u32 @!p0 $0xFFFFFFC0, v4  }
0x20: {  	v3 =	vor.u32 @!p0 v3, v4;
	v4 =	vand.u32 @!p0 $0x7, v5;
	v5 =	vshrl.u32 @!p0 v5, $0x3  }
0x21: {  	v3 =	vperm.xlane @!p0 v3, v4;
	v4 =	vmul.u32 @!p0 $0x8, v5;
	_ =	sdelay $0x1  }
0x22: {  	v3 =	vadd.s32 @!p0 v4, v3;
	_ =	sdelay $0x3  }
0x23: {  	s9 =	simm.s32 @!p0 $0xC80  }
0x24: {  	[tilespmem:s9], [sflag:$0x1] =	stream.indirect_vreg.gather @!p0 [hbm4b:s1+s8], $0x80, v3, vm1, $0xb8;
	[tilespmem:$0x1EC80] =	vst v63  }
0x25: {  	s10 =	simm.s32 @!p0 $0x1480  }
0x26: {  	[tilespmem:s10], [sflag:$0x1] =	stream.indirect_vreg.gather @!p0 [hbm4b:s5+s8], $0x80, v3, vm1, $0xb8;
	[tilespmem:$0x1EC80] =	vst v63  }
0x27: {  	s10 =	simm.s32 @!p0 $0x1C80  }
0x28: {  	[tilespmem:s10], [sflag:$0x1] =	stream.indirect_vreg.gather @!p0 [hbm4b:s6+s8], $0x80, v3, vm1, $0xb8;
	[tilespmem:$0x1EC80] =	vst v63  }
0x29: {  	s10 =	simm.s32 @!p0 $0x2480  }
0x2a: {  	[tilespmem:s10], [sflag:$0x1] =	stream.indirect_vreg.gather @!p0 [hbm4b:s7+s8], $0x80, v3, vm1, $0xb8;
	[tilespmem:$0x1EC80] =	vst v63  }
0x2b: {  	s10 =	simm.s32 @!p0 $0x1  }
0x2c: {  	_ =	swait.ge @!p0 [sflag:s10], $0x2000  }
0x2d: {  	[sflag:s10] =	ssyncset.done @!p0 $0x0  }
0x2e: {  	[sflag:s10] =	ssyncadd.s32 @!p0 $0xFFFFE000;
	s10 =	rddreg [dreg:$0x6]  }
0x2f: {  	[hbm4b:s10+s8] =	stream.linear.scatter @!p0 [tilespmem:s9], [sflag:$0x4], $0x2000, $0x38;
	[tilespmem:$0x1EC80] =	vst v63  }
0x30: {  	s8 =	simm.s32 @!p0 $0x4  }
0x31: {  	_ =	swait.ge @!p0 [sflag:s8], $0x2000  }
0x32: {  	s9 =	rddreg [dreg:$0x8]  }
0x33: {  	s12 =	rddreg [dreg:$0x7];
	s10 =	sadd.s32 $0x1, s9  }
0x34: {  	p1 =	sne.s32 s10, s12  }
.Ltmp1:
0x35: {  	_ = 	snop;
	(pc) =	sbr.rel @!p1 .LBB2_9-.Ltmp1, $3  }
0x36: {  	_ =	sdelay $0x1  }
0x37: {  	[sflag:s8] =	ssyncset.done @!p0 $0x0  }
0x38: {  	[sflag:s8] =	ssyncadd.s32 @!p0 $0xFFFFE000  }
.LBB2_1:
0x39: {  	[dreg:$0x8] =	wrdreg s10  }
0x3a: {  	s8 =	rddreg [dreg:$0x4];
	s12 =	simm.s32 $0x7  }
0x3b: {  	[tilespmem:s3], [sflag:$0x7] =	stream.linear.gather [hbm4b:s8+s3], $0xC30, $0x38;
	[tilespmem:$0x1EC80] =	vst v63  }
0x3c: {  	_ =	swait.ge [sflag:s12], $0xC30  }
0x3d: {  	[sflag:s12] =	ssyncset.done $0x0  }
0x3e: {  	[sflag:s12] =	ssyncadd.s32 $0xFFFFF3D0  }
0x3f: {  	v3 =	vld [tilespmem:$0x0];
	_ =	sdelay $0x4  }
0x40: {  	v4 =	vshll.u32 v3, $0x3  }
0x41: {  	v3 =	vand.u32 $0x7, v3;
	v4 =	vand.u32 $0xFFFFFFC0, v4  }
0x42: {  	v3 =	vor.u32 v3, v4  }
0x43: {  	v4 =	vperm.xlane v3, v0;
	_ =	sdelay $0x1  }
0x44: {  	v4 =	vadd.s32 v1, v4;
	_ =	sdelay $0x4  }
0x45: {  	[tilespmem:s13], [sflag:$0x1] =	stream.indirect_vreg.gather [hbm4b:s1+s3], $0x80, v4, vm0, $0xb8;
	[tilespmem:$0x1EC80] =	vst v63  }
0x46: {  	s9 =	simm.s32 $0x1480;
	v3 =	vperm.xlane v3, v2  }
0x47: {  	[tilespmem:s9], [sflag:$0x1] =	stream.indirect_vreg.gather [hbm4b:s5+s3], $0x80, v4, vm0, $0xb8;
	[tilespmem:$0x1EC80] =	vst v63  }
0x48: {  	s10 =	simm.s32 $0x1C80;
	v3 =	vadd.s32 v1, v3  }
0x49: {  	[tilespmem:s10], [sflag:$0x1] =	stream.indirect_vreg.gather [hbm4b:s6+s3], $0x80, v4, vm0, $0xb8;
	[tilespmem:$0x1EC80] =	vst v63  }
0x4a: {  	s12 =	simm.s32 $0x2480  }
0x4b: {  	[tilespmem:s12], [sflag:$0x1] =	stream.indirect_vreg.gather [hbm4b:s7+s3], $0x80, v4, vm0, $0xb8;
	[tilespmem:$0x1EC80] =	vst v63  }
0x4c: {  	s9 =	simm.s32 $0x2C80  }
0x4d: {  	[tilespmem:s9], [sflag:$0x1] =	stream.indirect_vreg.gather [hbm4b:s1+s3], $0x80, v3, vm0, $0xb8;
	[tilespmem:$0x1EC80] =	vst v63  }
0x4e: {  	s10 =	simm.s32 $0x3480  }
0x4f: {  	[tilespmem:s10], [sflag:$0x1] =	stream.indirect_vreg.gather [hbm4b:s5+s3], $0x80, v3, vm0, $0xb8;
	[tilespmem:$0x1EC80] =	vst v63  }
0x50: {  	s12 =	simm.s32 $0x3C80  }
0x51: {  	[tilespmem:s12], [sflag:$0x1] =	stream.indirect_vreg.gather [hbm4b:s6+s3], $0x80, v3, vm0, $0xb8;
	[tilespmem:$0x1EC80] =	vst v63  }
0x52: {  	s9 =	simm.s32 $0x4480  }
0x53: {  	[tilespmem:s9], [sflag:$0x1] =	stream.indirect_vreg.gather [hbm4b:s7+s3], $0x80, v3, vm0, $0xb8;
	[tilespmem:$0x1EC80] =	vst v63  }
0x54: {  	v3 =	vld [tilespmem:$0x10];
	_ =	sdelay $0x4  }
0x55: {  	v56 =	vshll.u32 v3, $0x3  }
0x56: {  	v3 =	vand.u32 $0x7, v3;
	v4 =	vand.u32 $0xFFFFFFC0, v56  }
0x57: {  	v3 =	vor.u32 v3, v4  }
0x58: {  	v4 =	vperm.xlane v3, v0;
	_ =	sdelay $0x1  }
0x59: {  	v4 =	vadd.s32 v1, v4;
	_ =	sdelay $0x3  }
0x5a: {  	s10 =	simm.s32 $0x4C80  }
0x5b: {  	[tilespmem:s10], [sflag:$0x1] =	stream.indirect_vreg.gather [hbm4b:s1+s3], $0x80, v4, vm0, $0xb8;
	[tilespmem:$0x1EC80] =	vst v63  }
0x5c: {  	s12 =	simm.s32 $0x5480;
	v3 =	vperm.xlane v3, v2  }
0x5d: {  	[tilespmem:s12], [sflag:$0x1] =	stream.indirect_vreg.gather [hbm4b:s5+s3], $0x80, v4, vm0, $0xb8;
	[tilespmem:$0x1EC80] =	vst v63  }
0x5e: {  	s9 =	simm.s32 $0x5C80;
	v3 =	vadd.s32 v1, v3  }
0x5f: {  	[tilespmem:s9], [sflag:$0x1] =	stream.indirect_vreg.gather [hbm4b:s6+s3], $0x80, v4, vm0, $0xb8;
	[tilespmem:$0x1EC80] =	vst v63  }
0x60: {  	s10 =	simm.s32 $0x6480  }
0x61: {  	[tilespmem:s10], [sflag:$0x1] =	stream.indirect_vreg.gather [hbm4b:s7+s3], $0x80, v4, vm0, $0xb8;
	[tilespmem:$0x1EC80] =	vst v63  }
0x62: {  	s12 =	simm.s32 $0x6C80  }
0x63: {  	[tilespmem:s12], [sflag:$0x1] =	stream.indirect_vreg.gather [hbm4b:s1+s3], $0x80, v3, vm0, $0xb8;
	[tilespmem:$0x1EC80] =	vst v63  }
0x64: {  	s9 =	simm.s32 $0x7480  }
0x65: {  	[tilespmem:s9], [sflag:$0x1] =	stream.indirect_vreg.gather [hbm4b:s5+s3], $0x80, v3, vm0, $0xb8;
	[tilespmem:$0x1EC80] =	vst v63  }
0x66: {  	s10 =	simm.s32 $0x7C80  }
0x67: {  	[tilespmem:s10], [sflag:$0x1] =	stream.indirect_vreg.gather [hbm4b:s6+s3], $0x80, v3, vm0, $0xb8;
	[tilespmem:$0x1EC80] =	vst v63  }
0x68: {  	s12 =	simm.s32 $0x8480  }
0x69: {  	[tilespmem:s12], [sflag:$0x1] =	stream.indirect_vreg.gather [hbm4b:s7+s3], $0x80, v3, vm0, $0xb8;
	[tilespmem:$0x1EC80] =	vst v63  }
0x6a: {  	v3 =	vld.msk [tilespmem:$0x20], $0xff;
	_ =	sdelay $0x4  }
0x6b: {  	v57 =	vshll.u32 v3, $0x3  }
0x6c: {  	v3 =	vand.u32 $0x7, v3;
	v4 =	vand.u32 $0xFFFFFFC0, v57  }
0x6d: {  	v3 =	vor.u32 v3, v4  }
0x6e: {  	v3 =	vperm.xlane v3, v0;
	_ =	sdelay $0x1  }
0x6f: {  	v3 =	vadd.s32 v1, v3;
	_ =	sdelay $0x3  }
0x70: {  	s9 =	simm.s32 $0x8C80  }
0x71: {  	[tilespmem:s9], [sflag:$0x1] =	stream.indirect_vreg.gather [hbm4b:s1+s3], $0x80, v3, vm0, $0xb8;
	[tilespmem:$0x1EC80] =	vst v63  }
0x72: {  	s10 =	simm.s32 $0x9480  }
0x73: {  	[tilespmem:s10], [sflag:$0x1] =	stream.indirect_vreg.gather [hbm4b:s5+s3], $0x80, v3, vm0, $0xb8;
	[tilespmem:$0x1EC80] =	vst v63  }
0x74: {  	s12 =	simm.s32 $0x9C80  }
0x75: {  	[tilespmem:s12], [sflag:$0x1] =	stream.indirect_vreg.gather [hbm4b:s6+s3], $0x80, v3, vm0, $0xb8;
	[tilespmem:$0x1EC80] =	vst v63  }
0x76: {  	s9 =	simm.s32 $0xA480  }
0x77: {  	[tilespmem:s9], [sflag:$0x1] =	stream.indirect_vreg.gather [hbm4b:s7+s3], $0x80, v3, vm0, $0xb8;
	[tilespmem:$0x1EC80] =	vst v63  }
0x78: {  	v3 =	vld [tilespmem:$0x28];
	_ =	sdelay $0x4  }
0x79: {  	v58 =	vshll.u32 v3, $0x3  }
0x7a: {  	v3 =	vand.u32 $0x7, v3;
	v4 =	vand.u32 $0xFFFFFFC0, v58  }
0x7b: {  	v3 =	vor.u32 v3, v4  }
0x7c: {  	v4 =	vperm.xlane v3, v0;
	_ =	sdelay $0x1  }
0x7d: {  	v4 =	vadd.s32 v1, v4;
	_ =	sdelay $0x4  }
0x7e: {  	[tilespmem:s4], [sflag:$0x2] =	stream.indirect_vreg.gather [hbm4b:s1+s3], $0x80, v4, vm0, $0xb8;
	[tilespmem:$0x1EC80] =	vst v63  }
0x7f: {  	s10 =	simm.s32 $0xB480;
	v3 =	vperm.xlane v3, v2  }
0x80: {  	[tilespmem:s10], [sflag:$0x2] =	stream.indirect_vreg.gather [hbm4b:s5+s3], $0x80, v4, vm0, $0xb8;
	[tilespmem:$0x1EC80] =	vst v63  }
0x81: {  	s12 =	simm.s32 $0xBC80;
	v3 =	vadd.s32 v1, v3  }
0x82: {  	[tilespmem:s12], [sflag:$0x2] =	stream.indirect_vreg.gather [hbm4b:s6+s3], $0x80, v4, vm0, $0xb8;
	[tilespmem:$0x1EC80] =	vst v63  }
0x83: {  	s9 =	simm.s32 $0xC480  }
0x84: {  	[tilespmem:s9], [sflag:$0x2] =	stream.indirect_vreg.gather [hbm4b:s7+s3], $0x80, v4, vm0, $0xb8;
	[tilespmem:$0x1EC80] =	vst v63  }
0x85: {  	s10 =	simm.s32 $0xCC80  }
0x86: {  	[tilespmem:s10], [sflag:$0x2] =	stream.indirect_vreg.gather [hbm4b:s1+s3], $0x80, v3, vm0, $0xb8;
	[tilespmem:$0x1EC80] =	vst v63  }
0x87: {  	s12 =	simm.s32 $0xD480  }
0x88: {  	[tilespmem:s12], [sflag:$0x2] =	stream.indirect_vreg.gather [hbm4b:s5+s3], $0x80, v3, vm0, $0xb8;
	[tilespmem:$0x1EC80] =	vst v63  }
0x89: {  	s9 =	simm.s32 $0xDC80  }
0x8a: {  	[tilespmem:s9], [sflag:$0x2] =	stream.indirect_vreg.gather [hbm4b:s6+s3], $0x80, v3, vm0, $0xb8;
	[tilespmem:$0x1EC80] =	vst v63  }
0x8b: {  	s10 =	simm.s32 $0xE480  }
0x8c: {  	[tilespmem:s10], [sflag:$0x2] =	stream.indirect_vreg.gather [hbm4b:s7+s3], $0x80, v3, vm0, $0xb8;
	[tilespmem:$0x1EC80] =	vst v63  }
0x8d: {  	v3 =	vld [tilespmem:$0x38];
	_ =	sdelay $0x4  }
0x8e: {  	v59 =	vshll.u32 v3, $0x3  }
0x8f: {  	v3 =	vand.u32 $0x7, v3;
	v4 =	vand.u32 $0xFFFFFFC0, v59  }
0x90: {  	v3 =	vor.u32 v3, v4  }
0x91: {  	v4 =	vperm.xlane v3, v0;
	_ =	sdelay $0x1  }
0x92: {  	v4 =	vadd.s32 v1, v4;
	_ =	sdelay $0x3  }
0x93: {  	s12 =	simm.s32 $0xEC80  }
0x94: {  	[tilespmem:s12], [sflag:$0x2] =	stream.indirect_vreg.gather [hbm4b:s1+s3], $0x80, v4, vm0, $0xb8;
	[tilespmem:$0x1EC80] =	vst v63  }
0x95: {  	s9 =	simm.s32 $0xF480;
	v3 =	vperm.xlane v3, v2  }
0x96: {  	[tilespmem:s9], [sflag:$0x2] =	stream.indirect_vreg.gather [hbm4b:s5+s3], $0x80, v4, vm0, $0xb8;
	[tilespmem:$0x1EC80] =	vst v63  }
0x97: {  	s10 =	simm.s32 $0xFC80;
	v3 =	vadd.s32 v1, v3  }
0x98: {  	[tilespmem:s10], [sflag:$0x2] =	stream.indirect_vreg.gather [hbm4b:s6+s3], $0x80, v4, vm0, $0xb8;
	[tilespmem:$0x1EC80] =	vst v63  }
0x99: {  	s12 =	simm.s32 $0x10480  }
0x9a: {  	[tilespmem:s12], [sflag:$0x2] =	stream.indirect_vreg.gather [hbm4b:s7+s3], $0x80, v4, vm0, $0xb8;
	[tilespmem:$0x1EC80] =	vst v63  }
0x9b: {  	s9 =	simm.s32 $0x10C80  }
0x9c: {  	[tilespmem:s9], [sflag:$0x2] =	stream.indirect_vreg.gather [hbm4b:s1+s3], $0x80, v3, vm0, $0xb8;
	[tilespmem:$0x1EC80] =	vst v63  }
0x9d: {  	s10 =	simm.s32 $0x11480  }
0x9e: {  	[tilespmem:s10], [sflag:$0x2] =	stream.indirect_vreg.gather [hbm4b:s5+s3], $0x80, v3, vm0, $0xb8;
	[tilespmem:$0x1EC80] =	vst v63  }
0x9f: {  	s12 =	simm.s32 $0x11C80  }
0xa0: {  	[tilespmem:s12], [sflag:$0x2] =	stream.indirect_vreg.gather [hbm4b:s6+s3], $0x80, v3, vm0, $0xb8;
	[tilespmem:$0x1EC80] =	vst v63  }
0xa1: {  	s9 =	simm.s32 $0x12480  }
0xa2: {  	[tilespmem:s9], [sflag:$0x2] =	stream.indirect_vreg.gather [hbm4b:s7+s3], $0x80, v3, vm0, $0xb8;
	[tilespmem:$0x1EC80] =	vst v63  }
0xa3: {  	v3 =	vld.msk [tilespmem:$0x48], $0xff;
	_ =	sdelay $0x4  }
0xa4: {  	v60 =	vshll.u32 v3, $0x3  }
0xa5: {  	v3 =	vand.u32 $0x7, v3;
	v4 =	vand.u32 $0xFFFFFFC0, v60  }
0xa6: {  	v3 =	vor.u32 v3, v4  }
0xa7: {  	v3 =	vperm.xlane v3, v0;
	_ =	sdelay $0x1  }
0xa8: {  	v3 =	vadd.s32 v1, v3;
	_ =	sdelay $0x3  }
0xa9: {  	s10 =	simm.s32 $0x12C80  }
0xaa: {  	[tilespmem:s10], [sflag:$0x2] =	stream.indirect_vreg.gather [hbm4b:s1+s3], $0x80, v3, vm0, $0xb8;
	[tilespmem:$0x1EC80] =	vst v63  }
0xab: {  	s12 =	simm.s32 $0x13480  }
0xac: {  	[tilespmem:s12], [sflag:$0x2] =	stream.indirect_vreg.gather [hbm4b:s5+s3], $0x80, v3, vm0, $0xb8;
	[tilespmem:$0x1EC80] =	vst v63  }
0xad: {  	s9 =	simm.s32 $0x13C80  }
0xae: {  	[tilespmem:s9], [sflag:$0x2] =	stream.indirect_vreg.gather [hbm4b:s6+s3], $0x80, v3, vm0, $0xb8;
	[tilespmem:$0x1EC80] =	vst v63  }
0xaf: {  	s10 =	simm.s32 $0x14480  }
0xb0: {  	[tilespmem:s10], [sflag:$0x2] =	stream.indirect_vreg.gather [hbm4b:s7+s3], $0x80, v3, vm0, $0xb8;
	[tilespmem:$0x1EC80] =	vst v63  }
0xb1: {  	v3 =	vld [tilespmem:$0x50];
	_ =	sdelay $0x4  }
0xb2: {  	v61 =	vshll.u32 v3, $0x3  }
0xb3: {  	v3 =	vand.u32 $0x7, v3;
	v4 =	vand.u32 $0xFFFFFFC0, v61  }
0xb4: {  	v3 =	vor.u32 v3, v4  }
0xb5: {  	v4 =	vperm.xlane v3, v0;
	_ =	sdelay $0x1  }
0xb6: {  	v4 =	vadd.s32 v1, v4;
	_ =	sdelay $0x4  }
0xb7: {  	[tilespmem:s30], [sflag:$0x3] =	stream.indirect_vreg.gather [hbm4b:s1+s3], $0x80, v4, vm0, $0xb8;
	[tilespmem:$0x1EC80] =	vst v63  }
0xb8: {  	s12 =	simm.s32 $0x15480;
	v3 =	vperm.xlane v3, v2  }
0xb9: {  	[tilespmem:s12], [sflag:$0x3] =	stream.indirect_vreg.gather [hbm4b:s5+s3], $0x80, v4, vm0, $0xb8;
	[tilespmem:$0x1EC80] =	vst v63  }
0xba: {  	s9 =	simm.s32 $0x15C80;
	v3 =	vadd.s32 v1, v3  }
0xbb: {  	[tilespmem:s9], [sflag:$0x3] =	stream.indirect_vreg.gather [hbm4b:s6+s3], $0x80, v4, vm0, $0xb8;
	[tilespmem:$0x1EC80] =	vst v63  }
0xbc: {  	s10 =	simm.s32 $0x16480  }
0xbd: {  	[tilespmem:s10], [sflag:$0x3] =	stream.indirect_vreg.gather [hbm4b:s7+s3], $0x80, v4, vm0, $0xb8;
	[tilespmem:$0x1EC80] =	vst v63  }
0xbe: {  	s12 =	simm.s32 $0x16C80  }
0xbf: {  	[tilespmem:s12], [sflag:$0x3] =	stream.indirect_vreg.gather [hbm4b:s1+s3], $0x80, v3, vm0, $0xb8;
	[tilespmem:$0x1EC80] =	vst v63  }
0xc0: {  	s9 =	simm.s32 $0x17480  }
0xc1: {  	[tilespmem:s9], [sflag:$0x3] =	stream.indirect_vreg.gather [hbm4b:s5+s3], $0x80, v3, vm0, $0xb8;
	[tilespmem:$0x1EC80] =	vst v63  }
0xc2: {  	s10 =	simm.s32 $0x17C80  }
0xc3: {  	[tilespmem:s10], [sflag:$0x3] =	stream.indirect_vreg.gather [hbm4b:s6+s3], $0x80, v3, vm0, $0xb8;
	[tilespmem:$0x1EC80] =	vst v63  }
0xc4: {  	s12 =	simm.s32 $0x18480  }
0xc5: {  	[tilespmem:s12], [sflag:$0x3] =	stream.indirect_vreg.gather [hbm4b:s7+s3], $0x80, v3, vm0, $0xb8;
	[tilespmem:$0x1EC80] =	vst v63  }
0xc6: {  	v3 =	vld [tilespmem:$0x60];
	_ =	sdelay $0x4  }
0xc7: {  	v62 =	vshll.u32 v3, $0x3  }
0xc8: {  	v3 =	vand.u32 $0x7, v3;
	v4 =	vand.u32 $0xFFFFFFC0, v62  }
0xc9: {  	v3 =	vor.u32 v3, v4  }
0xca: {  	v4 =	vperm.xlane v3, v0;
	_ =	sdelay $0x1  }
0xcb: {  	v4 =	vadd.s32 v1, v4;
	_ =	sdelay $0x4  }
0xcc: {  	[tilespmem:s14], [sflag:$0x3] =	stream.indirect_vreg.gather [hbm4b:s1+s3], $0x80, v4, vm0, $0xb8;
	[tilespmem:$0x1EC80] =	vst v63  }
0xcd: {  	v3 =	vperm.xlane v3, v2  }
0xce: {  	[tilespmem:s15], [sflag:$0x3] =	stream.indirect_vreg.gather [hbm4b:s5+s3], $0x80, v4, vm0, $0xb8;
	[tilespmem:$0x1EC80] =	vst v63  }
0xcf: {  	v3 =	vadd.s32 v1, v3  }
0xd0: {  	[tilespmem:s16], [sflag:$0x3] =	stream.indirect_vreg.gather [hbm4b:s6+s3], $0x80, v4, vm0, $0xb8;
	[tilespmem:$0x1EC80] =	vst v63  }
0xd1: {  	_ = 	snop  }
0xd2: {  	[tilespmem:s17], [sflag:$0x3] =	stream.indirect_vreg.gather [hbm4b:s7+s3], $0x80, v4, vm0, $0xb8;
	[tilespmem:$0x1EC80] =	vst v63  }
0xd3: {  	_ = 	snop  }
0xd4: {  	[tilespmem:s18], [sflag:$0x3] =	stream.indirect_vreg.gather [hbm4b:s1+s3], $0x80, v3, vm0, $0xb8;
	[tilespmem:$0x1EC80] =	vst v63  }
0xd5: {  	_ = 	snop  }
0xd6: {  	[tilespmem:s19], [sflag:$0x3] =	stream.indirect_vreg.gather [hbm4b:s5+s3], $0x80, v3, vm0, $0xb8;
	[tilespmem:$0x1EC80] =	vst v63  }
0xd7: {  	_ = 	snop  }
0xd8: {  	[tilespmem:s20], [sflag:$0x3] =	stream.indirect_vreg.gather [hbm4b:s6+s3], $0x80, v3, vm0, $0xb8;
	[tilespmem:$0x1EC80] =	vst v63  }
0xd9: {  	_ = 	snop  }
0xda: {  	[tilespmem:s21], [sflag:$0x3] =	stream.indirect_vreg.gather [hbm4b:s7+s3], $0x80, v3, vm0, $0xb8;
	[tilespmem:$0x1EC80] =	vst v63  }
0xdb: {  	v3 =	vld.msk [tilespmem:$0x70], $0xff;
	_ =	sdelay $0x4  }
0xdc: {  	v63 =	vshll.u32 v3, $0x3  }
0xdd: {  	v3 =	vand.u32 $0x7, v3;
	v4 =	vand.u32 $0xFFFFFFC0, v63  }
0xde: {  	v3 =	vor.u32 v3, v4  }
0xdf: {  	v3 =	vperm.xlane v3, v0;
	_ =	sdelay $0x1  }
0xe0: {  	v3 =	vadd.s32 v1, v3;
	_ =	sdelay $0x4  }
0xe1: {  	[tilespmem:s22], [sflag:$0x3] =	stream.indirect_vreg.gather [hbm4b:s1+s3], $0x80, v3, vm0, $0xb8;
	[tilespmem:$0x1EC80] =	vst v63  }
0xe2: {  	_ = 	snop  }
0xe3: {  	[tilespmem:s23], [sflag:$0x3] =	stream.indirect_vreg.gather [hbm4b:s5+s3], $0x80, v3, vm0, $0xb8;
	[tilespmem:$0x1EC80] =	vst v63  }
0xe4: {  	_ = 	snop  }
0xe5: {  	[tilespmem:s24], [sflag:$0x3] =	stream.indirect_vreg.gather [hbm4b:s6+s3], $0x80, v3, vm0, $0xb8;
	[tilespmem:$0x1EC80] =	vst v63  }
0xe6: {  	s8 =	simm.s32 $0xE8;
	s9 =	simm.s32 $0x0  }
0xe7: {  	[tilespmem:s25], [sflag:$0x3] =	stream.indirect_vreg.gather [hbm4b:s7+s3], $0x80, v3, vm0, $0xb8;
	[tilespmem:$0x1EC80] =	vst v63  }
.LBB2_2:
0xe8: {  	_ =	swait.ge [sflag:s26], $0xA000  }
0xe9: {  	p1 =	seq.s32 s9, $0x5DC00;
	[sflag:s26] =	ssyncset.done $0x0  }
.Ltmp2:
0xea: {  	s10 =	sadd.s32 s9, s11;
	[sflag:s26] =	ssyncadd.s32 $0xFFFF6000;
	(pc) =	sbr.rel @p1 .LBB2_4-.Ltmp2, $4  }
0xeb: {  	[hbm4b:s10+s3] =	stream.linear.scatter [tilespmem:s13], [sflag:$0x4], $0xA000, $0x38;
	[tilespmem:$0x1EC80] =	vst v63  }
0xec: {  	_ =	swait.ge [sflag:s28], $0xA000  }
0xed: {  	[sflag:s28] =	ssyncset.done $0x0  }
0xee: {  	[sflag:s28] =	ssyncadd.s32 $0xFFFF6000  }
0xef: {  	v3 =	vld [tilespmem:s8+$0xFFFFFF90];
	_ =	sdelay $0x4  }
0xf0: {  	v4 =	vshll.u32 v3, $0x3  }
0xf1: {  	v3 =	vand.u32 $0x7, v3;
	v4 =	vand.u32 $0xFFFFFFC0, v4  }
0xf2: {  	v3 =	vor.u32 v3, v4  }
0xf3: {  	v4 =	vperm.xlane v3, v0;
	_ =	sdelay $0x1  }
0xf4: {  	v4 =	vadd.s32 v1, v4;
	_ =	sdelay $0x4  }
0xf5: {  	[tilespmem:s13], [sflag:$0x1] =	stream.indirect_vreg.gather [hbm4b:s1+s3], $0x80, v4, vm0, $0xb8;
	[tilespmem:$0x1EC80] =	vst v63  }
0xf6: {  	s12 =	simm.s32 $0x1480;
	v3 =	vperm.xlane v3, v2  }
0xf7: {  	[tilespmem:s12], [sflag:$0x1] =	stream.indirect_vreg.gather [hbm4b:s5+s3], $0x80, v4, vm0, $0xb8;
	[tilespmem:$0x1EC80] =	vst v63  }
0xf8: {  	v3 =	vadd.s32 v1, v3;
	s12 =	simm.s32 $0x1C80  }
0xf9: {  	[tilespmem:s12], [sflag:$0x1] =	stream.indirect_vreg.gather [hbm4b:s6+s3], $0x80, v4, vm0, $0xb8;
	[tilespmem:$0x1EC80] =	vst v63  }
0xfa: {  	s12 =	simm.s32 $0x2480  }
0xfb: {  	[tilespmem:s12], [sflag:$0x1] =	stream.indirect_vreg.gather [hbm4b:s7+s3], $0x80, v4, vm0, $0xb8;
	[tilespmem:$0x1EC80] =	vst v63  }
0xfc: {  	s12 =	simm.s32 $0x2C80  }
0xfd: {  	[tilespmem:s12], [sflag:$0x1] =	stream.indirect_vreg.gather [hbm4b:s1+s3], $0x80, v3, vm0, $0xb8;
	[tilespmem:$0x1EC80] =	vst v63  }
0xfe: {  	s12 =	simm.s32 $0x3480  }
0xff: {  	[tilespmem:s12], [sflag:$0x1] =	stream.indirect_vreg.gather [hbm4b:s5+s3], $0x80, v3, vm0, $0xb8;
	[tilespmem:$0x1EC80] =	vst v63  }
0x100: {  	s12 =	simm.s32 $0x3C80  }
0x101: {  	[tilespmem:s12], [sflag:$0x1] =	stream.indirect_vreg.gather [hbm4b:s6+s3], $0x80, v3, vm0, $0xb8;
	[tilespmem:$0x1EC80] =	vst v63  }
0x102: {  	s12 =	simm.s32 $0x4480  }
0x103: {  	[tilespmem:s12], [sflag:$0x1] =	stream.indirect_vreg.gather [hbm4b:s7+s3], $0x80, v3, vm0, $0xb8;
	[tilespmem:$0x1EC80] =	vst v63  }
0x104: {  	v3 =	vld [tilespmem:s8+$0xFFFFFFA0];
	_ =	sdelay $0x4  }
0x105: {  	v62 =	vshll.u32 v3, $0x3  }
0x106: {  	v3 =	vand.u32 $0x7, v3;
	v4 =	vand.u32 $0xFFFFFFC0, v62  }
0x107: {  	v3 =	vor.u32 v3, v4  }
0x108: {  	v4 =	vperm.xlane v3, v0;
	_ =	sdelay $0x1  }
0x109: {  	v4 =	vadd.s32 v1, v4;
	_ =	sdelay $0x3  }
0x10a: {  	s12 =	simm.s32 $0x4C80  }
0x10b: {  	[tilespmem:s12], [sflag:$0x1] =	stream.indirect_vreg.gather [hbm4b:s1+s3], $0x80, v4, vm0, $0xb8;
	[tilespmem:$0x1EC80] =	vst v63  }
0x10c: {  	v3 =	vperm.xlane v3, v2;
	s12 =	simm.s32 $0x5480  }
0x10d: {  	[tilespmem:s12], [sflag:$0x1] =	stream.indirect_vreg.gather [hbm4b:s5+s3], $0x80, v4, vm0, $0xb8;
	[tilespmem:$0x1EC80] =	vst v63  }
0x10e: {  	v3 =	vadd.s32 v1, v3;
	s12 =	simm.s32 $0x5C80  }
0x10f: {  	[tilespmem:s12], [sflag:$0x1] =	stream.indirect_vreg.gather [hbm4b:s6+s3], $0x80, v4, vm0, $0xb8;
	[tilespmem:$0x1EC80] =	vst v63  }
0x110: {  	s12 =	simm.s32 $0x6480  }
0x111: {  	[tilespmem:s12], [sflag:$0x1] =	stream.indirect_vreg.gather [hbm4b:s7+s3], $0x80, v4, vm0, $0xb8;
	[tilespmem:$0x1EC80] =	vst v63  }
0x112: {  	s12 =	simm.s32 $0x6C80  }
0x113: {  	[tilespmem:s12], [sflag:$0x1] =	stream.indirect_vreg.gather [hbm4b:s1+s3], $0x80, v3, vm0, $0xb8;
	[tilespmem:$0x1EC80] =	vst v63  }
0x114: {  	s12 =	simm.s32 $0x7480  }
0x115: {  	[tilespmem:s12], [sflag:$0x1] =	stream.indirect_vreg.gather [hbm4b:s5+s3], $0x80, v3, vm0, $0xb8;
	[tilespmem:$0x1EC80] =	vst v63  }
0x116: {  	s12 =	simm.s32 $0x7C80  }
0x117: {  	[tilespmem:s12], [sflag:$0x1] =	stream.indirect_vreg.gather [hbm4b:s6+s3], $0x80, v3, vm0, $0xb8;
	[tilespmem:$0x1EC80] =	vst v63  }
0x118: {  	s12 =	simm.s32 $0x8480  }
0x119: {  	[tilespmem:s12], [sflag:$0x1] =	stream.indirect_vreg.gather [hbm4b:s7+s3], $0x80, v3, vm0, $0xb8;
	[tilespmem:$0x1EC80] =	vst v63  }
0x11a: {  	v3 =	vld.msk [tilespmem:s8+$0xFFFFFFB0], $0xff;
	_ =	sdelay $0x4  }
0x11b: {  	v63 =	vshll.u32 v3, $0x3  }
0x11c: {  	v3 =	vand.u32 $0x7, v3;
	v4 =	vand.u32 $0xFFFFFFC0, v63  }
0x11d: {  	v3 =	vor.u32 v3, v4  }
0x11e: {  	v3 =	vperm.xlane v3, v0;
	_ =	sdelay $0x1  }
0x11f: {  	v3 =	vadd.s32 v1, v3;
	_ =	sdelay $0x3  }
0x120: {  	s12 =	simm.s32 $0x8C80  }
0x121: {  	[tilespmem:s12], [sflag:$0x1] =	stream.indirect_vreg.gather [hbm4b:s1+s3], $0x80, v3, vm0, $0xb8;
	[tilespmem:$0x1EC80] =	vst v63  }
0x122: {  	s12 =	simm.s32 $0x9480  }
0x123: {  	[tilespmem:s12], [sflag:$0x1] =	stream.indirect_vreg.gather [hbm4b:s5+s3], $0x80, v3, vm0, $0xb8;
	[tilespmem:$0x1EC80] =	vst v63  }
0x124: {  	s12 =	simm.s32 $0x9C80  }
0x125: {  	[tilespmem:s12], [sflag:$0x1] =	stream.indirect_vreg.gather [hbm4b:s6+s3], $0x80, v3, vm0, $0xb8;
	[tilespmem:$0x1EC80] =	vst v63  }
0x126: {  	s12 =	simm.s32 $0xA480  }
0x127: {  	[tilespmem:s12], [sflag:$0x1] =	stream.indirect_vreg.gather [hbm4b:s7+s3], $0x80, v3, vm0, $0xb8;
	[tilespmem:$0x1EC80] =	vst v63  }
.LBB2_4:
0x128: {  	_ =	swait.ge [sflag:s29], $0xA000  }
0x129: {  	[sflag:s29] =	ssyncset.done $0x0  }
.Ltmp3:
0x12a: {  	s12 =	sadd.s32 $0x1400, s10;
	[sflag:s29] =	ssyncadd.s32 $0xFFFF6000;
	(pc) =	sbr.rel @p1 .LBB2_6-.Ltmp3, $4  }
0x12b: {  	[hbm4b:s12+s3] =	stream.linear.scatter [tilespmem:s4], [sflag:$0x5], $0xA000, $0x38;
	[tilespmem:$0x1EC80] =	vst v63  }
0x12c: {  	_ =	swait.ge [sflag:s31], $0xA000  }
0x12d: {  	[sflag:s31] =	ssyncset.done $0x0  }
0x12e: {  	[sflag:s31] =	ssyncadd.s32 $0xFFFF6000  }
0x12f: {  	v3 =	vld [tilespmem:s8+$0xFFFFFFB8];
	_ =	sdelay $0x4  }
0x130: {  	v4 =	vshll.u32 v3, $0x3  }
0x131: {  	v3 =	vand.u32 $0x7, v3;
	v4 =	vand.u32 $0xFFFFFFC0, v4  }
0x132: {  	v3 =	vor.u32 v3, v4  }
0x133: {  	v4 =	vperm.xlane v3, v0;
	_ =	sdelay $0x1  }
0x134: {  	v4 =	vadd.s32 v1, v4;
	_ =	sdelay $0x4  }
0x135: {  	[tilespmem:s4], [sflag:$0x2] =	stream.indirect_vreg.gather [hbm4b:s1+s3], $0x80, v4, vm0, $0xb8;
	[tilespmem:$0x1EC80] =	vst v63  }
0x136: {  	s12 =	simm.s32 $0xB480;
	v3 =	vperm.xlane v3, v2  }
0x137: {  	[tilespmem:s12], [sflag:$0x2] =	stream.indirect_vreg.gather [hbm4b:s5+s3], $0x80, v4, vm0, $0xb8;
	[tilespmem:$0x1EC80] =	vst v63  }
0x138: {  	v3 =	vadd.s32 v1, v3;
	s12 =	simm.s32 $0xBC80  }
0x139: {  	[tilespmem:s12], [sflag:$0x2] =	stream.indirect_vreg.gather [hbm4b:s6+s3], $0x80, v4, vm0, $0xb8;
	[tilespmem:$0x1EC80] =	vst v63  }
0x13a: {  	s12 =	simm.s32 $0xC480  }
0x13b: {  	[tilespmem:s12], [sflag:$0x2] =	stream.indirect_vreg.gather [hbm4b:s7+s3], $0x80, v4, vm0, $0xb8;
	[tilespmem:$0x1EC80] =	vst v63  }
0x13c: {  	s12 =	simm.s32 $0xCC80  }
0x13d: {  	[tilespmem:s12], [sflag:$0x2] =	stream.indirect_vreg.gather [hbm4b:s1+s3], $0x80, v3, vm0, $0xb8;
	[tilespmem:$0x1EC80] =	vst v63  }
0x13e: {  	s12 =	simm.s32 $0xD480  }
0x13f: {  	[tilespmem:s12], [sflag:$0x2] =	stream.indirect_vreg.gather [hbm4b:s5+s3], $0x80, v3, vm0, $0xb8;
	[tilespmem:$0x1EC80] =	vst v63  }
0x140: {  	s12 =	simm.s32 $0xDC80  }
0x141: {  	[tilespmem:s12], [sflag:$0x2] =	stream.indirect_vreg.gather [hbm4b:s6+s3], $0x80, v3, vm0, $0xb8;
	[tilespmem:$0x1EC80] =	vst v63  }
0x142: {  	s12 =	simm.s32 $0xE480  }
0x143: {  	[tilespmem:s12], [sflag:$0x2] =	stream.indirect_vreg.gather [hbm4b:s7+s3], $0x80, v3, vm0, $0xb8;
	[tilespmem:$0x1EC80] =	vst v63  }
0x144: {  	v3 =	vld [tilespmem:s8+$0xFFFFFFC8];
	_ =	sdelay $0x4  }
0x145: {  	v62 =	vshll.u32 v3, $0x3  }
0x146: {  	v3 =	vand.u32 $0x7, v3;
	v4 =	vand.u32 $0xFFFFFFC0, v62  }
0x147: {  	v3 =	vor.u32 v3, v4  }
0x148: {  	v4 =	vperm.xlane v3, v0;
	_ =	sdelay $0x1  }
0x149: {  	v4 =	vadd.s32 v1, v4;
	_ =	sdelay $0x3  }
0x14a: {  	s12 =	simm.s32 $0xEC80  }
0x14b: {  	[tilespmem:s12], [sflag:$0x2] =	stream.indirect_vreg.gather [hbm4b:s1+s3], $0x80, v4, vm0, $0xb8;
	[tilespmem:$0x1EC80] =	vst v63  }
0x14c: {  	v3 =	vperm.xlane v3, v2;
	s12 =	simm.s32 $0xF480  }
0x14d: {  	[tilespmem:s12], [sflag:$0x2] =	stream.indirect_vreg.gather [hbm4b:s5+s3], $0x80, v4, vm0, $0xb8;
	[tilespmem:$0x1EC80] =	vst v63  }
0x14e: {  	v3 =	vadd.s32 v1, v3;
	s12 =	simm.s32 $0xFC80  }
0x14f: {  	[tilespmem:s12], [sflag:$0x2] =	stream.indirect_vreg.gather [hbm4b:s6+s3], $0x80, v4, vm0, $0xb8;
	[tilespmem:$0x1EC80] =	vst v63  }
0x150: {  	s12 =	simm.s32 $0x10480  }
0x151: {  	[tilespmem:s12], [sflag:$0x2] =	stream.indirect_vreg.gather [hbm4b:s7+s3], $0x80, v4, vm0, $0xb8;
	[tilespmem:$0x1EC80] =	vst v63  }
0x152: {  	s12 =	simm.s32 $0x10C80  }
0x153: {  	[tilespmem:s12], [sflag:$0x2] =	stream.indirect_vreg.gather [hbm4b:s1+s3], $0x80, v3, vm0, $0xb8;
	[tilespmem:$0x1EC80] =	vst v63  }
0x154: {  	s12 =	simm.s32 $0x11480  }
0x155: {  	[tilespmem:s12], [sflag:$0x2] =	stream.indirect_vreg.gather [hbm4b:s5+s3], $0x80, v3, vm0, $0xb8;
	[tilespmem:$0x1EC80] =	vst v63  }
0x156: {  	s12 =	simm.s32 $0x11C80  }
0x157: {  	[tilespmem:s12], [sflag:$0x2] =	stream.indirect_vreg.gather [hbm4b:s6+s3], $0x80, v3, vm0, $0xb8;
	[tilespmem:$0x1EC80] =	vst v63  }
0x158: {  	s12 =	simm.s32 $0x12480  }
0x159: {  	[tilespmem:s12], [sflag:$0x2] =	stream.indirect_vreg.gather [hbm4b:s7+s3], $0x80, v3, vm0, $0xb8;
	[tilespmem:$0x1EC80] =	vst v63  }
0x15a: {  	v3 =	vld.msk [tilespmem:s8+$0xFFFFFFD8], $0xff;
	_ =	sdelay $0x4  }
0x15b: {  	v63 =	vshll.u32 v3, $0x3  }
0x15c: {  	v3 =	vand.u32 $0x7, v3;
	v4 =	vand.u32 $0xFFFFFFC0, v63  }
0x15d: {  	v3 =	vor.u32 v3, v4  }
0x15e: {  	v3 =	vperm.xlane v3, v0;
	_ =	sdelay $0x1  }
0x15f: {  	v3 =	vadd.s32 v1, v3;
	_ =	sdelay $0x3  }
0x160: {  	s12 =	simm.s32 $0x12C80  }
0x161: {  	[tilespmem:s12], [sflag:$0x2] =	stream.indirect_vreg.gather [hbm4b:s1+s3], $0x80, v3, vm0, $0xb8;
	[tilespmem:$0x1EC80] =	vst v63  }
0x162: {  	s12 =	simm.s32 $0x13480  }
0x163: {  	[tilespmem:s12], [sflag:$0x2] =	stream.indirect_vreg.gather [hbm4b:s5+s3], $0x80, v3, vm0, $0xb8;
	[tilespmem:$0x1EC80] =	vst v63  }
0x164: {  	s12 =	simm.s32 $0x13C80  }
0x165: {  	[tilespmem:s12], [sflag:$0x2] =	stream.indirect_vreg.gather [hbm4b:s6+s3], $0x80, v3, vm0, $0xb8;
	[tilespmem:$0x1EC80] =	vst v63  }
0x166: {  	s12 =	simm.s32 $0x14480  }
0x167: {  	[tilespmem:s12], [sflag:$0x2] =	stream.indirect_vreg.gather [hbm4b:s7+s3], $0x80, v3, vm0, $0xb8;
	[tilespmem:$0x1EC80] =	vst v63  }
.LBB2_6:
0x168: {  	_ =	swait.ge [sflag:s2], $0xA000  }
0x169: {  	[sflag:s2] =	ssyncset.done $0x0  }
.Ltmp4:
0x16a: {  	s10 =	sadd.s32 $0x2800, s10;
	[sflag:s2] =	ssyncadd.s32 $0xFFFF6000;
	(pc) =	sbr.rel @p1 .LBB2_8-.Ltmp4, $4  }
0x16b: {  	[hbm4b:s10+s3] =	stream.linear.scatter [tilespmem:s30], [sflag:$0x6], $0xA000, $0x38;
	[tilespmem:$0x1EC80] =	vst v63  }
0x16c: {  	_ =	swait.ge [sflag:s0], $0xA000  }
0x16d: {  	[sflag:s0] =	ssyncset.done $0x0  }
0x16e: {  	[sflag:s0] =	ssyncadd.s32 $0xFFFF6000  }
0x16f: {  	v3 =	vld [tilespmem:s8+$0xFFFFFFE0];
	_ =	sdelay $0x4  }
0x170: {  	v4 =	vshll.u32 v3, $0x3  }
0x171: {  	v3 =	vand.u32 $0x7, v3;
	v4 =	vand.u32 $0xFFFFFFC0, v4  }
0x172: {  	v3 =	vor.u32 v3, v4  }
0x173: {  	v4 =	vperm.xlane v3, v0;
	_ =	sdelay $0x1  }
0x174: {  	v4 =	vadd.s32 v1, v4;
	_ =	sdelay $0x4  }
0x175: {  	[tilespmem:s30], [sflag:$0x3] =	stream.indirect_vreg.gather [hbm4b:s1+s3], $0x80, v4, vm0, $0xb8;
	[tilespmem:$0x1EC80] =	vst v63  }
0x176: {  	s10 =	simm.s32 $0x15480;
	v3 =	vperm.xlane v3, v2  }
0x177: {  	[tilespmem:s10], [sflag:$0x3] =	stream.indirect_vreg.gather [hbm4b:s5+s3], $0x80, v4, vm0, $0xb8;
	[tilespmem:$0x1EC80] =	vst v63  }
0x178: {  	s12 =	simm.s32 $0x15C80;
	v3 =	vadd.s32 v1, v3  }
0x179: {  	[tilespmem:s12], [sflag:$0x3] =	stream.indirect_vreg.gather [hbm4b:s6+s3], $0x80, v4, vm0, $0xb8;
	[tilespmem:$0x1EC80] =	vst v63  }
0x17a: {  	s12 =	simm.s32 $0x16480  }
0x17b: {  	[tilespmem:s12], [sflag:$0x3] =	stream.indirect_vreg.gather [hbm4b:s7+s3], $0x80, v4, vm0, $0xb8;
	[tilespmem:$0x1EC80] =	vst v63  }
0x17c: {  	s12 =	simm.s32 $0x16C80  }
0x17d: {  	[tilespmem:s12], [sflag:$0x3] =	stream.indirect_vreg.gather [hbm4b:s1+s3], $0x80, v3, vm0, $0xb8;
	[tilespmem:$0x1EC80] =	vst v63  }
0x17e: {  	s12 =	simm.s32 $0x17480  }
0x17f: {  	[tilespmem:s12], [sflag:$0x3] =	stream.indirect_vreg.gather [hbm4b:s5+s3], $0x80, v3, vm0, $0xb8;
	[tilespmem:$0x1EC80] =	vst v63  }
0x180: {  	s12 =	simm.s32 $0x17C80  }
0x181: {  	[tilespmem:s12], [sflag:$0x3] =	stream.indirect_vreg.gather [hbm4b:s6+s3], $0x80, v3, vm0, $0xb8;
	[tilespmem:$0x1EC80] =	vst v63  }
0x182: {  	s12 =	simm.s32 $0x18480  }
0x183: {  	[tilespmem:s12], [sflag:$0x3] =	stream.indirect_vreg.gather [hbm4b:s7+s3], $0x80, v3, vm0, $0xb8;
	[tilespmem:$0x1EC80] =	vst v63  }
0x184: {  	v3 =	vld [tilespmem:s8+$0xFFFFFFF0];
	_ =	sdelay $0x4  }
0x185: {  	v62 =	vshll.u32 v3, $0x3  }
0x186: {  	v3 =	vand.u32 $0x7, v3;
	v4 =	vand.u32 $0xFFFFFFC0, v62  }
0x187: {  	v3 =	vor.u32 v3, v4  }
0x188: {  	v4 =	vperm.xlane v3, v0;
	_ =	sdelay $0x1  }
0x189: {  	v4 =	vadd.s32 v1, v4;
	_ =	sdelay $0x4  }
0x18a: {  	[tilespmem:s14], [sflag:$0x3] =	stream.indirect_vreg.gather [hbm4b:s1+s3], $0x80, v4, vm0, $0xb8;
	[tilespmem:$0x1EC80] =	vst v63  }
0x18b: {  	v3 =	vperm.xlane v3, v2  }
0x18c: {  	[tilespmem:s15], [sflag:$0x3] =	stream.indirect_vreg.gather [hbm4b:s5+s3], $0x80, v4, vm0, $0xb8;
	[tilespmem:$0x1EC80] =	vst v63  }
0x18d: {  	v3 =	vadd.s32 v1, v3  }
0x18e: {  	[tilespmem:s16], [sflag:$0x3] =	stream.indirect_vreg.gather [hbm4b:s6+s3], $0x80, v4, vm0, $0xb8;
	[tilespmem:$0x1EC80] =	vst v63  }
0x18f: {  	_ = 	snop  }
0x190: {  	[tilespmem:s17], [sflag:$0x3] =	stream.indirect_vreg.gather [hbm4b:s7+s3], $0x80, v4, vm0, $0xb8;
	[tilespmem:$0x1EC80] =	vst v63  }
0x191: {  	_ = 	snop  }
0x192: {  	[tilespmem:s18], [sflag:$0x3] =	stream.indirect_vreg.gather [hbm4b:s1+s3], $0x80, v3, vm0, $0xb8;
	[tilespmem:$0x1EC80] =	vst v63  }
0x193: {  	_ = 	snop  }
0x194: {  	[tilespmem:s19], [sflag:$0x3] =	stream.indirect_vreg.gather [hbm4b:s5+s3], $0x80, v3, vm0, $0xb8;
	[tilespmem:$0x1EC80] =	vst v63  }
0x195: {  	_ = 	snop  }
0x196: {  	[tilespmem:s20], [sflag:$0x3] =	stream.indirect_vreg.gather [hbm4b:s6+s3], $0x80, v3, vm0, $0xb8;
	[tilespmem:$0x1EC80] =	vst v63  }
0x197: {  	_ = 	snop  }
0x198: {  	[tilespmem:s21], [sflag:$0x3] =	stream.indirect_vreg.gather [hbm4b:s7+s3], $0x80, v3, vm0, $0xb8;
	[tilespmem:$0x1EC80] =	vst v63  }
0x199: {  	v3 =	vld.msk [tilespmem:s8+$0x0], $0xff;
	_ =	sdelay $0x4  }
0x19a: {  	v63 =	vshll.u32 v3, $0x3  }
0x19b: {  	v3 =	vand.u32 $0x7, v3;
	v4 =	vand.u32 $0xFFFFFFC0, v63  }
0x19c: {  	v3 =	vor.u32 v3, v4  }
0x19d: {  	v3 =	vperm.xlane v3, v0;
	_ =	sdelay $0x1  }
0x19e: {  	v3 =	vadd.s32 v1, v3;
	_ =	sdelay $0x4  }
0x19f: {  	[tilespmem:s22], [sflag:$0x3] =	stream.indirect_vreg.gather [hbm4b:s1+s3], $0x80, v3, vm0, $0xb8;
	[tilespmem:$0x1EC80] =	vst v63  }
0x1a0: {  	_ = 	snop  }
0x1a1: {  	[tilespmem:s23], [sflag:$0x3] =	stream.indirect_vreg.gather [hbm4b:s5+s3], $0x80, v3, vm0, $0xb8;
	[tilespmem:$0x1EC80] =	vst v63  }
.Ltmp5:
0x1a2: {  	_ = 	snop;
	(pc) =	sbr.rel .LBB2_2-.Ltmp5, $4  }
0x1a3: {  	_ = 	snop  }
0x1a4: {  	[tilespmem:s24], [sflag:$0x3] =	stream.indirect_vreg.gather [hbm4b:s6+s3], $0x80, v3, vm0, $0xb8;
	[tilespmem:$0x1EC80] =	vst v63  }
0x1a5: {  	s9 =	sadd.s32 $0x3C00, s9;
	s8 =	sadd.s32 $0x78, s8  }
0x1a6: {  	[tilespmem:s25], [sflag:$0x3] =	stream.indirect_vreg.gather [hbm4b:s7+s3], $0x80, v3, vm0, $0xb8;
	[tilespmem:$0x1EC80] =	vst v63  }
.LBB2_9:
0x1a7: {  	_ =	sfence.sel $0x180000  }
0x1a8: {  	[bflag:$0x0] =	sbarrier.arrive $0xFFFF  }
0x1a9: {  	_ =	strace $0x90000047  }
0x1aa: {  	s0 =	stileid.u32;
	[bflag:$0x2] =	sbarrier.arrive $0xFFFF  }
0x1ab: {  	p0 =	sne.s32 s0, $0x0;
	s0 =	rddreg [dreg:$0x3]  }
0x1ac: {  	s0 =	sadd.s32 @!p0 $0x100000, s0  }
0x1ad: {  	[sflag:s0] =	ssyncadd.tile.s32 @!p0 $0x1;
	_ =	shalt  }
.Lfunc_end2:
_tile_overlayer_lowered:
.L_overlay_start_2:
0x1ae: {  	(tag) =	ssettag $0x2  }
0x1af: {  	s0 =	rddreg [dreg:$0x0];
	s2 =	stileid.u32  }
0x1b0: {  	s1 =	rddreg [dreg:$0x1];
	p0 =	sne.s32 s2, $0x0  }
0x1b1: {  	s3 =	rddreg [dreg:$0x2];
	[bflag:$0x3] =	sbarrier.arrive $0xFFFF;
	s2 =	simm.s32 @!p0 $0x1C07  }
0x1b2: {  	[timem:s3], [sflag:s2] =	dma.local @!p0 [hbm:s0], s1  }
0x1b3: {  	s0 =	simm.s32 @!p0 $0x7  }
0x1b4: {  	_ =	swait.ge @!p0 [sflag:s0], s1  }
0x1b5: {  	s1 =	ssub.s32 @!p0 $0x0, s1;
	[sflag:s0] =	ssyncset.done @!p0 $0x0  }
0x1b6: {  	[sflag:s0] =	ssyncadd.s32 @!p0 s1  }
0x1b7: {  	[bflag:$0x3] =	sbarrier.arrive $0xFFFF  }
0x1b8: {  	_ =	shalt  }

</sc_bundles>
